<compile_context>
chip_gen: v7x
topology: tpu7x:2x2x1
jax: 0.10.2.dev20260603
libtpu: 0.0.44.dev20260713+nightly
codegen_flags: <defaults>
</compile_context>

<pallas_src>
import functools

import jax
import jax.numpy as jnp
from jax import lax
from jax.experimental import pallas as pl
from jax.experimental.pallas import tpu as pltpu
from jax.experimental.pallas import tpu_sc as plsc


def _proj_body(et_ref, eb_ref, w_ref, b_ref, o_ref):
    top = jnp.dot(et_ref[...], w_ref[...], preferred_element_type=jnp.float32)
    bot = jnp.dot(eb_ref[...], w_ref[...], preferred_element_type=jnp.float32)
    o_ref[...] = jnp.concatenate([top, bot], axis=1) + jnp.concatenate(
        [b_ref[...], b_ref[...]], axis=1
    )


def _project_table_packed(embed_table, W, b):
    V, E = embed_table.shape
    D = W.shape[1]
    H = V // 2
    blk = 2000
    return pl.pallas_call(
        _proj_body,
        grid=(H // blk,),
        in_specs=[
            pl.BlockSpec((blk, E), lambda i: (i, 0)),
            pl.BlockSpec((blk, E), lambda i, _h=H // blk: (i + _h, 0)),
            pl.BlockSpec((E, D), lambda i: (0, 0)),
            pl.BlockSpec((1, D), lambda i: (0, 0)),
        ],
        out_specs=pl.BlockSpec((blk, 2 * D), lambda i: (i, 0)),
        out_shape=jax.ShapeDtypeStruct((H, 2 * D), jnp.float32),
    )(embed_table, embed_table, W, b.reshape(1, D))


@functools.lru_cache(maxsize=None)
def _make_gather_t(V, D, Bt, S):
    info = plsc.get_sparse_core_info()
    NC, NS = info.num_cores, info.num_subcores
    NW = NC * NS
    NB = Bt // NW
    mesh = plsc.VectorSubcoreMesh(core_axis_name="c", subcore_axis_name="s")

    @functools.partial(
        pl.kernel,
        mesh=mesh,
        out_type=jax.ShapeDtypeStruct((S, D, Bt), jnp.float32),
        scratch_types=[
            pltpu.VMEM((S, NB), jnp.int32),
            pltpu.VMEM((NB, D), jnp.float32),
            pltpu.VMEM((NB, D), jnp.float32),
            pltpu.VMEM((D, NB), jnp.float32),
            pltpu.VMEM((D, NB), jnp.float32),
            pltpu.SemaphoreType.DMA,
            pltpu.SemaphoreType.DMA,
        ],
        compiler_params=pltpu.CompilerParams(
            use_tc_tiling_on_sc=False, needs_layout_passes=False
        ),
    )
    def gather_kernel(idx_hbm, table_hbm, out_hbm,
                      idx_v, rows0, rows1, tr0, tr1, sem_g, sem_o):
        wid = lax.axis_index("s") * NC + lax.axis_index("c")
        b0 = wid * NB
        pltpu.sync_copy(idx_hbm.at[:, pl.ds(b0, NB)], idx_v)
        rows = (rows0, rows1)
        trs = (tr0, tr1)
        iotas = [lax.broadcasted_iota(jnp.int32, (16,), 0) + 16 * kb
                 for kb in range(NB // 16)]

        def fire(s, slot):
            pltpu.async_copy(table_hbm.at[idx_v.at[s]], rows[slot], sem_g)

        def drain_g(slot):
            pltpu.make_async_copy(
                table_hbm.at[pl.ds(0, NB)], rows[slot], sem_g
            ).wait()

        def write_out(s, slot):
            pltpu.async_copy(
                trs[slot], out_hbm.at[s, :, pl.ds(b0, NB)], sem_o
            )

        def drain_o(slot):
            pltpu.make_async_copy(
                trs[slot], out_hbm.at[0, :, pl.ds(0, NB)], sem_o
            ).wait()

        def transpose(slot):
            src, dst = rows[slot], trs[slot]

            @plsc.parallel_loop(0, D, carry=jnp.zeros((16,), jnp.int32))
            def dbody(d, dv):
                for kb in range(NB // 16):
                    vals = plsc.load_gather(src, [iotas[kb], dv])
                    plsc.store_scatter(dst, [dv, iotas[kb]], vals)
                return dv + 1

        fire(0, 0)

        def body(s2, c):
            for par in range(2):
                s = 2 * s2 + par

                @pl.when(s + 1 < S)
                def _():
                    fire(s + 1, 1 - par)

                drain_g(par)

                @pl.when(s >= 2)
                def _():
                    drain_o(par)

                transpose(par)
                write_out(s, par)
            return c

        lax.fori_loop(0, S // 2, body, 0)
        drain_o(0)
        drain_o(1)

    return gather_kernel


def kernel(token_ids, embed_table, W, b):
    Bt, S = token_ids.shape
    V, E = embed_table.shape
    D = W.shape[1]
    H = V // 2

    packed = _project_table_packed(embed_table, W, b)
    table = packed.reshape(V, D)

    ids = token_ids.astype(jnp.int32)
    ids2 = 2 * (ids % H) + ids // H
    idx = ids2.T

    outp = _make_gather_t(V, D, Bt, S)(idx, table)
    return outp.transpose(2, 0, 1)

# --- scband reference (transcript-rebuilt; emitter-appended) ---
"""Pipeline reference for scband-encoder-60730837566201 (READ-ONLY COPY).

The authoritative reference and input builder live on the scoring server;
editing this copy changes nothing except your own understanding.
"""

import jax, jax.numpy as jnp
import numpy as np

VOCAB = 100000
EMBED_DIM = 128
LATENT_DIM = 64
BATCH = 4096
SEQ = 200

def setup_inputs(seed: int = 0) -> dict:
    key = jax.random.key(seed)
    k1, k2, k3, k4 = jax.random.split(key, 4)
    token_ids = jax.random.randint(k1, (BATCH, SEQ), 0, VOCAB, dtype=jnp.int64 if jax.config.jax_enable_x64 else jnp.int32)
    embed_table = jax.random.normal(k2, (VOCAB, EMBED_DIM), dtype=jnp.float32)
    # nn.Linear default init: U(-1/sqrt(fan_in), 1/sqrt(fan_in))
    bound = 1.0 / np.sqrt(EMBED_DIM)
    W = jax.random.uniform(k3, (EMBED_DIM, LATENT_DIM), dtype=jnp.float32, minval=-bound, maxval=bound)
    b = jax.random.uniform(k4, (LATENT_DIM,), dtype=jnp.float32, minval=-bound, maxval=bound)
    return {"token_ids": token_ids, "embed_table": embed_table, "W": W, "b": b}

def reference(token_ids, embed_table, W, b):
    # x = self.embed(token_ids)  -> gather rows from embedding table
    x = jnp.take(embed_table, token_ids, axis=0)  # [B, S, EMBED_DIM]
    # z = self.proj(x)  -> linear projection
    z = jnp.dot(x, W) + b  # [B, S, LATENT_DIM]
    return z

if __name__ == "__main__":
    import jax
    _d = setup_inputs()
    print(jax.jit(kernel)(*tuple(_d.values())))

</pallas_src>

<mosaic_0001>
#map = affine_map<(d0, d1) -> (0, 0)>
#map1 = affine_map<(d0, d1) -> (0, 0, 0)>
module attributes {stable_mosaic.version = 14 : i64} {
  func.func @gather_kernel(%arg0: i32, %arg1: i32, %arg2: memref<200x4096xi32, #tpu.memory_space<hbm>>, %arg3: memref<100000x64xf32, #tpu.memory_space<hbm>>, %arg4: memref<200x64x4096xf32, #tpu.memory_space<hbm>>, %arg5: memref<200x128xi32, #tpu.memory_space<vmem>>, %arg6: memref<128x64xf32, #tpu.memory_space<vmem>>, %arg7: memref<128x64xf32, #tpu.memory_space<vmem>>, %arg8: memref<64x128xf32, #tpu.memory_space<vmem>>, %arg9: memref<64x128xf32, #tpu.memory_space<vmem>>, %arg10: memref<!tpu.dma_semaphore, #tpu.memory_space<semaphore_mem>>, %arg11: memref<!tpu.dma_semaphore, #tpu.memory_space<semaphore_mem>>) attributes {dimension_semantics = [#tpu.dimension_semantics<core_parallel>, #tpu.dimension_semantics<subcore_parallel>], iteration_bounds = array<i64: 2, 16>, scalar_prefetch = 0 : i64, scratch_operands = 7 : i64, tpu.core_type = #tpu.core_type<sc_vector_subcore>, window_params = [{transform_indices = #map}, {transform_indices = #map}, {transform_indices = #map1}]} {
    %mul3A = arith.constant 2 : i32
    %mul3A_0 = arith.muli %arg1, %mul3A : i32
    %add3A = arith.addi %mul3A_0, %arg0 : i32
    %mul3A_1 = arith.constant 128 : i32
    %mul3A_2 = arith.muli %add3A, %mul3A_1 : i32
    "tpu.region"() ({
      %run_scoped3A = tpu.sem_alloc : memref<!tpu.dma_semaphore, #tpu.memory_space<semaphore_mem>>
      %dma_start3A_62 = arith.constant 0 : i32
      %dma_start3A_63 = tpu.memref_slice %arg2[%dma_start3A_62, %mul3A_2] : memref<200x4096xi32, #tpu.memory_space<hbm>> -> memref<200x128xi32, #tpu.memory_space<hbm>>
      %dma_start3A_64 = arith.constant 0 : i32
      %dma_start3A_65 = tpu.memref_slice %arg2[%dma_start3A_64, %mul3A_2] : memref<200x4096xi32, #tpu.memory_space<hbm>> -> memref<200x128xi32, #tpu.memory_space<hbm>>
      tpu.enqueue_dma source(%dma_start3A_65 : memref<200x128xi32, #tpu.memory_space<hbm>>) target(%arg5 : memref<200x128xi32, #tpu.memory_space<vmem>>) target_semaphore(%run_scoped3A : memref<!tpu.dma_semaphore, #tpu.memory_space<semaphore_mem>>)
      %dma_wait3A_66 = arith.constant 0 : i32
      %dma_wait3A_67 = tpu.memref_slice %arg2[%dma_wait3A_66, %mul3A_2] : memref<200x4096xi32, #tpu.memory_space<hbm>> -> memref<200x128xi32, #tpu.memory_space<hbm>>
      %dma_wait3A_68 = arith.constant 0 : i32
      %dma_wait3A_69 = tpu.memref_slice %arg2[%dma_wait3A_68, %mul3A_2] : memref<200x4096xi32, #tpu.memory_space<hbm>> -> memref<200x128xi32, #tpu.memory_space<hbm>>
      tpu.wait_dma2 semaphore(%run_scoped3A : memref<!tpu.dma_semaphore, #tpu.memory_space<semaphore_mem>>) src(%dma_wait3A_69 : memref<200x128xi32, #tpu.memory_space<hbm>>) dst(%arg5 : memref<200x128xi32, #tpu.memory_space<vmem>>)
      tpu.yield
    }) : () -> ()
    %iota3A = tpu.iota {dimensions = array<i32: 0>} : vector<16xi32>
    %add3A_3 = arith.constant 0 : i32
    %add3A_4 = vector.broadcast %add3A_3 : i32 to vector<16xi32>
    %add3A_5 = arith.addi %iota3A, %add3A_4 : vector<16xi32>
    %iota3A_6 = tpu.iota {dimensions = array<i32: 0>} : vector<16xi32>
    %add3A_7 = arith.constant 16 : i32
    %add3A_8 = vector.broadcast %add3A_7 : i32 to vector<16xi32>
    %add3A_9 = arith.addi %iota3A_6, %add3A_8 : vector<16xi32>
    %iota3A_10 = tpu.iota {dimensions = array<i32: 0>} : vector<16xi32>
    %add3A_11 = arith.constant 32 : i32
    %add3A_12 = vector.broadcast %add3A_11 : i32 to vector<16xi32>
    %add3A_13 = arith.addi %iota3A_10, %add3A_12 : vector<16xi32>
    %iota3A_14 = tpu.iota {dimensions = array<i32: 0>} : vector<16xi32>
    %add3A_15 = arith.constant 48 : i32
    %add3A_16 = vector.broadcast %add3A_15 : i32 to vector<16xi32>
    %add3A_17 = arith.addi %iota3A_14, %add3A_16 : vector<16xi32>
    %iota3A_18 = tpu.iota {dimensions = array<i32: 0>} : vector<16xi32>
    %add3A_19 = arith.constant 64 : i32
    %add3A_20 = vector.broadcast %add3A_19 : i32 to vector<16xi32>
    %add3A_21 = arith.addi %iota3A_18, %add3A_20 : vector<16xi32>
    %iota3A_22 = tpu.iota {dimensions = array<i32: 0>} : vector<16xi32>
    %add3A_23 = arith.constant 80 : i32
    %add3A_24 = vector.broadcast %add3A_23 : i32 to vector<16xi32>
    %add3A_25 = arith.addi %iota3A_22, %add3A_24 : vector<16xi32>
    %iota3A_26 = tpu.iota {dimensions = array<i32: 0>} : vector<16xi32>
    %add3A_27 = arith.constant 96 : i32
    %add3A_28 = vector.broadcast %add3A_27 : i32 to vector<16xi32>
    %add3A_29 = arith.addi %iota3A_26, %add3A_28 : vector<16xi32>
    %iota3A_30 = tpu.iota {dimensions = array<i32: 0>} : vector<16xi32>
    %add3A_31 = arith.constant 112 : i32
    %add3A_32 = vector.broadcast %add3A_31 : i32 to vector<16xi32>
    %add3A_33 = arith.addi %iota3A_30, %add3A_32 : vector<16xi32>
    %dma_start3A = arith.constant 0 : i32
    %dma_start3A_34 = arith.constant 0 : i32
    %dma_start3A_35 = tpu.memref_slice %arg5[%dma_start3A, %dma_start3A_34] : memref<200x128xi32, #tpu.memory_space<vmem>> -> memref<1x128xi32, #tpu.memory_space<vmem>>
    %dma_start3A_36 = tpu.memref_squeeze %dma_start3A_35 : memref<1x128xi32, #tpu.memory_space<vmem>> -> memref<128xi32, #tpu.memory_space<vmem>>
    %dma_start3A_37 = arith.constant 0 : i32
    %dma_start3A_38 = arith.constant 0 : i32
    %dma_start3A_39 = tpu.memref_slice %arg3[%dma_start3A_37, %dma_start3A_38] : memref<100000x64xf32, #tpu.memory_space<hbm>> -> memref<100000x64xf32, #tpu.memory_space<hbm>>
    tpu.enqueue_indirect_dma source(%dma_start3A_39 : memref<100000x64xf32, #tpu.memory_space<hbm>>) target(%arg6 : memref<128x64xf32, #tpu.memory_space<vmem>>) offsets(%dma_start3A_36 : memref<128xi32, #tpu.memory_space<vmem>>) semaphore(%arg10 : memref<!tpu.dma_semaphore, #tpu.memory_space<semaphore_mem>>)
    %scan3A = arith.constant 0 : i32
    %scan3A_40 = arith.constant 0 : i32
    %scan3A_41 = arith.constant 100 : i32
    %scan3A_42 = arith.addi %scan3A_40, %scan3A_41 : i32
    %scan3A_43 = arith.constant 1 : i32
    scf.for %scan3A_62 = %scan3A_40 to %scan3A_42 step %scan3A_43  : i32 {
      %mul3A_63 = arith.constant 2 : i32
      %mul3A_64 = arith.muli %mul3A_63, %scan3A_62 : i32
      %add3A_65 = arith.constant 0 : i32
      %add3A_66 = arith.addi %mul3A_64, %add3A_65 : i32
      %add3A_67 = arith.constant 1 : i32
      %add3A_68 = arith.addi %add3A_66, %add3A_67 : i32
      %lt3A = arith.constant 200 : i32
      %lt3A_69 = arith.cmpi slt, %add3A_68, %lt3A : i32
      %convert_element_type3A = arith.extui %lt3A_69 : i1 to i32
      %cond3A = arith.constant 0 : i32
      %cond3A_70 = arith.cmpi ne, %convert_element_type3A, %cond3A : i32
      scf.if %cond3A_70 {
        %add3A_125 = arith.constant 1 : i32
        %add3A_126 = arith.addi %add3A_66, %add3A_125 : i32
        %dma_start3A_127 = arith.constant 0 : i32
        %dma_start3A_128 = tpu.memref_slice %arg5[%add3A_126, %dma_start3A_127] : memref<200x128xi32, #tpu.memory_space<vmem>> -> memref<1x128xi32, #tpu.memory_space<vmem>>
        %dma_start3A_129 = tpu.memref_squeeze %dma_start3A_128 : memref<1x128xi32, #tpu.memory_space<vmem>> -> memref<128xi32, #tpu.memory_space<vmem>>
        %dma_start3A_130 = arith.constant 0 : i32
        %dma_start3A_131 = arith.constant 0 : i32
        %dma_start3A_132 = tpu.memref_slice %arg3[%dma_start3A_130, %dma_start3A_131] : memref<100000x64xf32, #tpu.memory_space<hbm>> -> memref<100000x64xf32, #tpu.memory_space<hbm>>
        tpu.enqueue_indirect_dma source(%dma_start3A_132 : memref<100000x64xf32, #tpu.memory_space<hbm>>) target(%arg7 : memref<128x64xf32, #tpu.memory_space<vmem>>) offsets(%dma_start3A_129 : memref<128xi32, #tpu.memory_space<vmem>>) semaphore(%arg10 : memref<!tpu.dma_semaphore, #tpu.memory_space<semaphore_mem>>)
      } else {
      }
      %dma_wait3A_71 = arith.constant 0 : i32
      %dma_wait3A_72 = arith.constant 0 : i32
      %dma_wait3A_73 = tpu.memref_slice %arg3[%dma_wait3A_71, %dma_wait3A_72] : memref<100000x64xf32, #tpu.memory_space<hbm>> -> memref<128x64xf32, #tpu.memory_space<hbm>>
      %dma_wait3A_74 = arith.constant 0 : i32
      %dma_wait3A_75 = arith.constant 0 : i32
      %dma_wait3A_76 = tpu.memref_slice %arg3[%dma_wait3A_74, %dma_wait3A_75] : memref<100000x64xf32, #tpu.memory_space<hbm>> -> memref<128x64xf32, #tpu.memory_space<hbm>>
      tpu.wait_dma2 semaphore(%arg10 : memref<!tpu.dma_semaphore, #tpu.memory_space<semaphore_mem>>) src(%dma_wait3A_76 : memref<128x64xf32, #tpu.memory_space<hbm>>) dst(%arg6 : memref<128x64xf32, #tpu.memory_space<vmem>>)
      %ge3A = arith.constant 2 : i32
      %ge3A_77 = arith.cmpi sge, %add3A_66, %ge3A : i32
      %convert_element_type3A_78 = arith.extui %ge3A_77 : i1 to i32
      %cond3A_79 = arith.constant 0 : i32
      %cond3A_80 = arith.cmpi ne, %convert_element_type3A_78, %cond3A_79 : i32
      scf.if %cond3A_80 {
        %dma_wait3A_125 = arith.constant 0 : i32
        %dma_wait3A_126 = arith.constant 0 : i32
        %dma_wait3A_127 = arith.constant 0 : i32
        %dma_wait3A_128 = tpu.memref_slice %arg4[%dma_wait3A_125, %dma_wait3A_126, %dma_wait3A_127] : memref<200x64x4096xf32, #tpu.memory_space<hbm>> -> memref<1x64x128xf32, #tpu.memory_space<hbm>>
        %dma_wait3A_129 = tpu.memref_squeeze %dma_wait3A_128 : memref<1x64x128xf32, #tpu.memory_space<hbm>> -> memref<64x128xf32, #tpu.memory_space<hbm>>
        %dma_wait3A_130 = arith.constant 0 : i32
        %dma_wait3A_131 = arith.constant 0 : i32
        %dma_wait3A_132 = tpu.memref_slice %arg4[%dma_wait3A_125, %dma_wait3A_130, %dma_wait3A_131] : memref<200x64x4096xf32, #tpu.memory_space<hbm>> -> memref<1x64x128xf32, #tpu.memory_space<hbm>>
        %dma_wait3A_133 = tpu.memref_squeeze %dma_wait3A_132 : memref<1x64x128xf32, #tpu.memory_space<hbm>> -> memref<64x128xf32, #tpu.memory_space<hbm>>
        tpu.wait_dma2 semaphore(%arg11 : memref<!tpu.dma_semaphore, #tpu.memory_space<semaphore_mem>>) src(%arg8 : memref<64x128xf32, #tpu.memory_space<vmem>>) dst(%dma_wait3A_133 : memref<64x128xf32, #tpu.memory_space<hbm>>)
      } else {
      }
      %broadcast_in_dim3A = arith.constant 0 : i32
      %broadcast_in_dim3A_81 = vector.broadcast %broadcast_in_dim3A : i32 to vector<16xi32>
      %parallel_loop3A = arith.constant 0 : i32
      %parallel_loop3A_82 = arith.constant 64 : i32
      %parallel_loop3A_83 = arith.constant 1 : i32
      %parallel_loop3A_84 = scf.for %parallel_loop3A_125 = %parallel_loop3A to %parallel_loop3A_82 step %parallel_loop3A_83 iter_args(%parallel_loop3A_126 = %broadcast_in_dim3A_81) -> (vector<16xi32>)  : i32 {
        %parallel_loop3A_127 = tpu.vector_load_idx %arg6[%add3A_5, %parallel_loop3A_126] : memref<128x64xf32, #tpu.memory_space<vmem>>[vector<16xi32>, vector<16xi32>], vector<16xf32>,
        tpu.vector_store_idx %arg8[%parallel_loop3A_126, %add3A_5], %parallel_loop3A_127 : memref<64x128xf32, #tpu.memory_space<vmem>>[vector<16xi32>, vector<16xi32>], vector<16xf32>,
        %parallel_loop3A_128 = tpu.vector_load_idx %arg6[%add3A_9, %parallel_loop3A_126] : memref<128x64xf32, #tpu.memory_space<vmem>>[vector<16xi32>, vector<16xi32>], vector<16xf32>,
        tpu.vector_store_idx %arg8[%parallel_loop3A_126, %add3A_9], %parallel_loop3A_128 : memref<64x128xf32, #tpu.memory_space<vmem>>[vector<16xi32>, vector<16xi32>], vector<16xf32>,
        %parallel_loop3A_129 = tpu.vector_load_idx %arg6[%add3A_13, %parallel_loop3A_126] : memref<128x64xf32, #tpu.memory_space<vmem>>[vector<16xi32>, vector<16xi32>], vector<16xf32>,
        tpu.vector_store_idx %arg8[%parallel_loop3A_126, %add3A_13], %parallel_loop3A_129 : memref<64x128xf32, #tpu.memory_space<vmem>>[vector<16xi32>, vector<16xi32>], vector<16xf32>,
        %parallel_loop3A_130 = tpu.vector_load_idx %arg6[%add3A_17, %parallel_loop3A_126] : memref<128x64xf32, #tpu.memory_space<vmem>>[vector<16xi32>, vector<16xi32>], vector<16xf32>,
        tpu.vector_store_idx %arg8[%parallel_loop3A_126, %add3A_17], %parallel_loop3A_130 : memref<64x128xf32, #tpu.memory_space<vmem>>[vector<16xi32>, vector<16xi32>], vector<16xf32>,
        %parallel_loop3A_131 = tpu.vector_load_idx %arg6[%add3A_21, %parallel_loop3A_126] : memref<128x64xf32, #tpu.memory_space<vmem>>[vector<16xi32>, vector<16xi32>], vector<16xf32>,
        tpu.vector_store_idx %arg8[%parallel_loop3A_126, %add3A_21], %parallel_loop3A_131 : memref<64x128xf32, #tpu.memory_space<vmem>>[vector<16xi32>, vector<16xi32>], vector<16xf32>,
        %parallel_loop3A_132 = tpu.vector_load_idx %arg6[%add3A_25, %parallel_loop3A_126] : memref<128x64xf32, #tpu.memory_space<vmem>>[vector<16xi32>, vector<16xi32>], vector<16xf32>,
        tpu.vector_store_idx %arg8[%parallel_loop3A_126, %add3A_25], %parallel_loop3A_132 : memref<64x128xf32, #tpu.memory_space<vmem>>[vector<16xi32>, vector<16xi32>], vector<16xf32>,
        %parallel_loop3A_133 = tpu.vector_load_idx %arg6[%add3A_29, %parallel_loop3A_126] : memref<128x64xf32, #tpu.memory_space<vmem>>[vector<16xi32>, vector<16xi32>], vector<16xf32>,
        tpu.vector_store_idx %arg8[%parallel_loop3A_126, %add3A_29], %parallel_loop3A_133 : memref<64x128xf32, #tpu.memory_space<vmem>>[vector<16xi32>, vector<16xi32>], vector<16xf32>,
        %parallel_loop3A_134 = tpu.vector_load_idx %arg6[%add3A_33, %parallel_loop3A_126] : memref<128x64xf32, #tpu.memory_space<vmem>>[vector<16xi32>, vector<16xi32>], vector<16xf32>,
        tpu.vector_store_idx %arg8[%parallel_loop3A_126, %add3A_33], %parallel_loop3A_134 : memref<64x128xf32, #tpu.memory_space<vmem>>[vector<16xi32>, vector<16xi32>], vector<16xf32>,
        %parallel_loop3A_135 = arith.constant 1 : i32
        %parallel_loop3A_136 = vector.broadcast %parallel_loop3A_135 : i32 to vector<16xi32>
        %parallel_loop3A_137 = arith.addi %parallel_loop3A_126, %parallel_loop3A_136 : vector<16xi32>
        scf.yield %parallel_loop3A_137 : vector<16xi32>
      } {sc.loop_unroll_factor = 1 : i64, sc.parallel_access}
      %dma_start3A_85 = arith.constant 0 : i32
      %dma_start3A_86 = tpu.memref_slice %arg4[%add3A_66, %dma_start3A_85, %mul3A_2] : memref<200x64x4096xf32, #tpu.memory_space<hbm>> -> memref<1x64x128xf32, #tpu.memory_space<hbm>>
      %dma_start3A_87 = tpu.memref_squeeze %dma_start3A_86 : memref<1x64x128xf32, #tpu.memory_space<hbm>> -> memref<64x128xf32, #tpu.memory_space<hbm>>
      %dma_start3A_88 = arith.constant 0 : i32
      %dma_start3A_89 = tpu.memref_slice %arg4[%add3A_66, %dma_start3A_88, %mul3A_2] : memref<200x64x4096xf32, #tpu.memory_space<hbm>> -> memref<1x64x128xf32, #tpu.memory_space<hbm>>
      %dma_start3A_90 = tpu.memref_squeeze %dma_start3A_89 : memref<1x64x128xf32, #tpu.memory_space<hbm>> -> memref<64x128xf32, #tpu.memory_space<hbm>>
      tpu.enqueue_dma source(%arg8 : memref<64x128xf32, #tpu.memory_space<vmem>>) target(%dma_start3A_90 : memref<64x128xf32, #tpu.memory_space<hbm>>) target_semaphore(%arg11 : memref<!tpu.dma_semaphore, #tpu.memory_space<semaphore_mem>>)
      %mul3A_91 = arith.constant 2 : i32
      %mul3A_92 = arith.muli %mul3A_91, %scan3A_62 : i32
      %add3A_93 = arith.constant 1 : i32
      %add3A_94 = arith.addi %mul3A_92, %add3A_93 : i32
      %add3A_95 = arith.constant 1 : i32
      %add3A_96 = arith.addi %add3A_94, %add3A_95 : i32
      %lt3A_97 = arith.constant 200 : i32
      %lt3A_98 = arith.cmpi slt, %add3A_96, %lt3A_97 : i32
      %convert_element_type3A_99 = arith.extui %lt3A_98 : i1 to i32
      %cond3A_100 = arith.constant 0 : i32
      %cond3A_101 = arith.cmpi ne, %convert_element_type3A_99, %cond3A_100 : i32
      scf.if %cond3A_101 {
        %add3A_125 = arith.constant 1 : i32
        %add3A_126 = arith.addi %add3A_94, %add3A_125 : i32
        %dma_start3A_127 = arith.constant 0 : i32
        %dma_start3A_128 = tpu.memref_slice %arg5[%add3A_126, %dma_start3A_127] : memref<200x128xi32, #tpu.memory_space<vmem>> -> memref<1x128xi32, #tpu.memory_space<vmem>>
        %dma_start3A_129 = tpu.memref_squeeze %dma_start3A_128 : memref<1x128xi32, #tpu.memory_space<vmem>> -> memref<128xi32, #tpu.memory_space<vmem>>
        %dma_start3A_130 = arith.constant 0 : i32
        %dma_start3A_131 = arith.constant 0 : i32
        %dma_start3A_132 = tpu.memref_slice %arg3[%dma_start3A_130, %dma_start3A_131] : memref<100000x64xf32, #tpu.memory_space<hbm>> -> memref<100000x64xf32, #tpu.memory_space<hbm>>
        tpu.enqueue_indirect_dma source(%dma_start3A_132 : memref<100000x64xf32, #tpu.memory_space<hbm>>) target(%arg6 : memref<128x64xf32, #tpu.memory_space<vmem>>) offsets(%dma_start3A_129 : memref<128xi32, #tpu.memory_space<vmem>>) semaphore(%arg10 : memref<!tpu.dma_semaphore, #tpu.memory_space<semaphore_mem>>)
      } else {
      }
      %dma_wait3A_102 = arith.constant 0 : i32
      %dma_wait3A_103 = arith.constant 0 : i32
      %dma_wait3A_104 = tpu.memref_slice %arg3[%dma_wait3A_102, %dma_wait3A_103] : memref<100000x64xf32, #tpu.memory_space<hbm>> -> memref<128x64xf32, #tpu.memory_space<hbm>>
      %dma_wait3A_105 = arith.constant 0 : i32
      %dma_wait3A_106 = arith.constant 0 : i32
      %dma_wait3A_107 = tpu.memref_slice %arg3[%dma_wait3A_105, %dma_wait3A_106] : memref<100000x64xf32, #tpu.memory_space<hbm>> -> memref<128x64xf32, #tpu.memory_space<hbm>>
      tpu.wait_dma2 semaphore(%arg10 : memref<!tpu.dma_semaphore, #tpu.memory_space<semaphore_mem>>) src(%dma_wait3A_107 : memref<128x64xf32, #tpu.memory_space<hbm>>) dst(%arg7 : memref<128x64xf32, #tpu.memory_space<vmem>>)
      %ge3A_108 = arith.constant 2 : i32
      %ge3A_109 = arith.cmpi sge, %add3A_94, %ge3A_108 : i32
      %convert_element_type3A_110 = arith.extui %ge3A_109 : i1 to i32
      %cond3A_111 = arith.constant 0 : i32
      %cond3A_112 = arith.cmpi ne, %convert_element_type3A_110, %cond3A_111 : i32
      scf.if %cond3A_112 {
        %dma_wait3A_125 = arith.constant 0 : i32
        %dma_wait3A_126 = arith.constant 0 : i32
        %dma_wait3A_127 = arith.constant 0 : i32
        %dma_wait3A_128 = tpu.memref_slice %arg4[%dma_wait3A_125, %dma_wait3A_126, %dma_wait3A_127] : memref<200x64x4096xf32, #tpu.memory_space<hbm>> -> memref<1x64x128xf32, #tpu.memory_space<hbm>>
        %dma_wait3A_129 = tpu.memref_squeeze %dma_wait3A_128 : memref<1x64x128xf32, #tpu.memory_space<hbm>> -> memref<64x128xf32, #tpu.memory_space<hbm>>
        %dma_wait3A_130 = arith.constant 0 : i32
        %dma_wait3A_131 = arith.constant 0 : i32
        %dma_wait3A_132 = tpu.memref_slice %arg4[%dma_wait3A_125, %dma_wait3A_130, %dma_wait3A_131] : memref<200x64x4096xf32, #tpu.memory_space<hbm>> -> memref<1x64x128xf32, #tpu.memory_space<hbm>>
        %dma_wait3A_133 = tpu.memref_squeeze %dma_wait3A_132 : memref<1x64x128xf32, #tpu.memory_space<hbm>> -> memref<64x128xf32, #tpu.memory_space<hbm>>
        tpu.wait_dma2 semaphore(%arg11 : memref<!tpu.dma_semaphore, #tpu.memory_space<semaphore_mem>>) src(%arg9 : memref<64x128xf32, #tpu.memory_space<vmem>>) dst(%dma_wait3A_133 : memref<64x128xf32, #tpu.memory_space<hbm>>)
      } else {
      }
      %broadcast_in_dim3A_113 = arith.constant 0 : i32
      %broadcast_in_dim3A_114 = vector.broadcast %broadcast_in_dim3A_113 : i32 to vector<16xi32>
      %parallel_loop3A_115 = arith.constant 0 : i32
      %parallel_loop3A_116 = arith.constant 64 : i32
      %parallel_loop3A_117 = arith.constant 1 : i32
      %parallel_loop3A_118 = scf.for %parallel_loop3A_125 = %parallel_loop3A_115 to %parallel_loop3A_116 step %parallel_loop3A_117 iter_args(%parallel_loop3A_126 = %broadcast_in_dim3A_114) -> (vector<16xi32>)  : i32 {
        %parallel_loop3A_127 = tpu.vector_load_idx %arg7[%add3A_5, %parallel_loop3A_126] : memref<128x64xf32, #tpu.memory_space<vmem>>[vector<16xi32>, vector<16xi32>], vector<16xf32>,
        tpu.vector_store_idx %arg9[%parallel_loop3A_126, %add3A_5], %parallel_loop3A_127 : memref<64x128xf32, #tpu.memory_space<vmem>>[vector<16xi32>, vector<16xi32>], vector<16xf32>,
        %parallel_loop3A_128 = tpu.vector_load_idx %arg7[%add3A_9, %parallel_loop3A_126] : memref<128x64xf32, #tpu.memory_space<vmem>>[vector<16xi32>, vector<16xi32>], vector<16xf32>,
        tpu.vector_store_idx %arg9[%parallel_loop3A_126, %add3A_9], %parallel_loop3A_128 : memref<64x128xf32, #tpu.memory_space<vmem>>[vector<16xi32>, vector<16xi32>], vector<16xf32>,
        %parallel_loop3A_129 = tpu.vector_load_idx %arg7[%add3A_13, %parallel_loop3A_126] : memref<128x64xf32, #tpu.memory_space<vmem>>[vector<16xi32>, vector<16xi32>], vector<16xf32>,
        tpu.vector_store_idx %arg9[%parallel_loop3A_126, %add3A_13], %parallel_loop3A_129 : memref<64x128xf32, #tpu.memory_space<vmem>>[vector<16xi32>, vector<16xi32>], vector<16xf32>,
        %parallel_loop3A_130 = tpu.vector_load_idx %arg7[%add3A_17, %parallel_loop3A_126] : memref<128x64xf32, #tpu.memory_space<vmem>>[vector<16xi32>, vector<16xi32>], vector<16xf32>,
        tpu.vector_store_idx %arg9[%parallel_loop3A_126, %add3A_17], %parallel_loop3A_130 : memref<64x128xf32, #tpu.memory_space<vmem>>[vector<16xi32>, vector<16xi32>], vector<16xf32>,
        %parallel_loop3A_131 = tpu.vector_load_idx %arg7[%add3A_21, %parallel_loop3A_126] : memref<128x64xf32, #tpu.memory_space<vmem>>[vector<16xi32>, vector<16xi32>], vector<16xf32>,
        tpu.vector_store_idx %arg9[%parallel_loop3A_126, %add3A_21], %parallel_loop3A_131 : memref<64x128xf32, #tpu.memory_space<vmem>>[vector<16xi32>, vector<16xi32>], vector<16xf32>,
        %parallel_loop3A_132 = tpu.vector_load_idx %arg7[%add3A_25, %parallel_loop3A_126] : memref<128x64xf32, #tpu.memory_space<vmem>>[vector<16xi32>, vector<16xi32>], vector<16xf32>,
        tpu.vector_store_idx %arg9[%parallel_loop3A_126, %add3A_25], %parallel_loop3A_132 : memref<64x128xf32, #tpu.memory_space<vmem>>[vector<16xi32>, vector<16xi32>], vector<16xf32>,
        %parallel_loop3A_133 = tpu.vector_load_idx %arg7[%add3A_29, %parallel_loop3A_126] : memref<128x64xf32, #tpu.memory_space<vmem>>[vector<16xi32>, vector<16xi32>], vector<16xf32>,
        tpu.vector_store_idx %arg9[%parallel_loop3A_126, %add3A_29], %parallel_loop3A_133 : memref<64x128xf32, #tpu.memory_space<vmem>>[vector<16xi32>, vector<16xi32>], vector<16xf32>,
        %parallel_loop3A_134 = tpu.vector_load_idx %arg7[%add3A_33, %parallel_loop3A_126] : memref<128x64xf32, #tpu.memory_space<vmem>>[vector<16xi32>, vector<16xi32>], vector<16xf32>,
        tpu.vector_store_idx %arg9[%parallel_loop3A_126, %add3A_33], %parallel_loop3A_134 : memref<64x128xf32, #tpu.memory_space<vmem>>[vector<16xi32>, vector<16xi32>], vector<16xf32>,
        %parallel_loop3A_135 = arith.constant 1 : i32
        %parallel_loop3A_136 = vector.broadcast %parallel_loop3A_135 : i32 to vector<16xi32>
        %parallel_loop3A_137 = arith.addi %parallel_loop3A_126, %parallel_loop3A_136 : vector<16xi32>
        scf.yield %parallel_loop3A_137 : vector<16xi32>
      } {sc.loop_unroll_factor = 1 : i64, sc.parallel_access}
      %dma_start3A_119 = arith.constant 0 : i32
      %dma_start3A_120 = tpu.memref_slice %arg4[%add3A_94, %dma_start3A_119, %mul3A_2] : memref<200x64x4096xf32, #tpu.memory_space<hbm>> -> memref<1x64x128xf32, #tpu.memory_space<hbm>>
      %dma_start3A_121 = tpu.memref_squeeze %dma_start3A_120 : memref<1x64x128xf32, #tpu.memory_space<hbm>> -> memref<64x128xf32, #tpu.memory_space<hbm>>
      %dma_start3A_122 = arith.constant 0 : i32
      %dma_start3A_123 = tpu.memref_slice %arg4[%add3A_94, %dma_start3A_122, %mul3A_2] : memref<200x64x4096xf32, #tpu.memory_space<hbm>> -> memref<1x64x128xf32, #tpu.memory_space<hbm>>
      %dma_start3A_124 = tpu.memref_squeeze %dma_start3A_123 : memref<1x64x128xf32, #tpu.memory_space<hbm>> -> memref<64x128xf32, #tpu.memory_space<hbm>>
      tpu.enqueue_dma source(%arg9 : memref<64x128xf32, #tpu.memory_space<vmem>>) target(%dma_start3A_124 : memref<64x128xf32, #tpu.memory_space<hbm>>) target_semaphore(%arg11 : memref<!tpu.dma_semaphore, #tpu.memory_space<semaphore_mem>>)
    }
    %scan3A_44 = arith.constant 100 : i32
    %dma_wait3A = arith.constant 0 : i32
    %dma_wait3A_45 = arith.constant 0 : i32
    %dma_wait3A_46 = arith.constant 0 : i32
    %dma_wait3A_47 = tpu.memref_slice %arg4[%dma_wait3A, %dma_wait3A_45, %dma_wait3A_46] : memref<200x64x4096xf32, #tpu.memory_space<hbm>> -> memref<1x64x128xf32, #tpu.memory_space<hbm>>
    %dma_wait3A_48 = tpu.memref_squeeze %dma_wait3A_47 : memref<1x64x128xf32, #tpu.memory_space<hbm>> -> memref<64x128xf32, #tpu.memory_space<hbm>>
    %dma_wait3A_49 = arith.constant 0 : i32
    %dma_wait3A_50 = arith.constant 0 : i32
    %dma_wait3A_51 = tpu.memref_slice %arg4[%dma_wait3A, %dma_wait3A_49, %dma_wait3A_50] : memref<200x64x4096xf32, #tpu.memory_space<hbm>> -> memref<1x64x128xf32, #tpu.memory_space<hbm>>
    %dma_wait3A_52 = tpu.memref_squeeze %dma_wait3A_51 : memref<1x64x128xf32, #tpu.memory_space<hbm>> -> memref<64x128xf32, #tpu.memory_space<hbm>>
    tpu.wait_dma2 semaphore(%arg11 : memref<!tpu.dma_semaphore, #tpu.memory_space<semaphore_mem>>) src(%arg8 : memref<64x128xf32, #tpu.memory_space<vmem>>) dst(%dma_wait3A_52 : memref<64x128xf32, #tpu.memory_space<hbm>>)
    %dma_wait3A_53 = arith.constant 0 : i32
    %dma_wait3A_54 = arith.constant 0 : i32
    %dma_wait3A_55 = arith.constant 0 : i32
    %dma_wait3A_56 = tpu.memref_slice %arg4[%dma_wait3A_53, %dma_wait3A_54, %dma_wait3A_55] : memref<200x64x4096xf32, #tpu.memory_space<hbm>> -> memref<1x64x128xf32, #tpu.memory_space<hbm>>
    %dma_wait3A_57 = tpu.memref_squeeze %dma_wait3A_56 : memref<1x64x128xf32, #tpu.memory_space<hbm>> -> memref<64x128xf32, #tpu.memory_space<hbm>>
    %dma_wait3A_58 = arith.constant 0 : i32
    %dma_wait3A_59 = arith.constant 0 : i32
    %dma_wait3A_60 = tpu.memref_slice %arg4[%dma_wait3A_53, %dma_wait3A_58, %dma_wait3A_59] : memref<200x64x4096xf32, #tpu.memory_space<hbm>> -> memref<1x64x128xf32, #tpu.memory_space<hbm>>
    %dma_wait3A_61 = tpu.memref_squeeze %dma_wait3A_60 : memref<1x64x128xf32, #tpu.memory_space<hbm>> -> memref<64x128xf32, #tpu.memory_space<hbm>>
    tpu.wait_dma2 semaphore(%arg11 : memref<!tpu.dma_semaphore, #tpu.memory_space<semaphore_mem>>) src(%arg9 : memref<64x128xf32, #tpu.memory_space<vmem>>) dst(%dma_wait3A_61 : memref<64x128xf32, #tpu.memory_space<hbm>>)
    return
  }
}

module attributes {stable_mosaic.version = 14 : i64} {
  func.func @_proj_body(%arg0: i32, %arg1: memref<2000x128xf32, #tpu.memory_space<vmem>>, %arg2: memref<2000x128xf32, #tpu.memory_space<vmem>>, %arg3: memref<128x64xf32, #tpu.memory_space<vmem>>, %arg4: memref<1x64xf32, #tpu.memory_space<vmem>>, %arg5: memref<2000x128xf32, #tpu.memory_space<vmem>>) attributes {dimension_semantics = [#tpu.dimension_semantics<arbitrary>], iteration_bounds = array<i64: 25>, scalar_prefetch = 0 : i64, scratch_operands = 0 : i64, tpu.core_type = #tpu.core_type<tc>, window_params = [{transform_indices = @transform_0, window_bounds = array<i64: 2000, 128>}, {transform_indices = @transform_1, window_bounds = array<i64: 2000, 128>}, {pipeline_mode = #tpu.pipeline_mode<synchronous>, transform_indices = @transform_2, window_bounds = array<i64: 128, 64>}, {pipeline_mode = #tpu.pipeline_mode<synchronous>, transform_indices = @transform_3, window_bounds = array<i64: 1, 64>}, {transform_indices = @transform_4, window_bounds = array<i64: 2000, 128>}]} {
    %get3A = arith.constant 0 : index
    %get3A_0 = arith.constant 0 : index
    %get3A_1 = vector.load %arg1[%get3A, %get3A_0] : memref<2000x128xf32, #tpu.memory_space<vmem>>, vector<2000x128xf32>
    %get3A_2 = arith.constant 0 : index
    %get3A_3 = arith.constant 0 : index
    %get3A_4 = vector.load %arg3[%get3A_2, %get3A_3] : memref<128x64xf32, #tpu.memory_space<vmem>>, vector<128x64xf32>
    %dot_general3A = arith.constant dense<0.000000e+00> : vector<2000x64xf32>
    %dot_general3A_5 = tpu.matmul %get3A_1, %get3A_4, %dot_general3A {dimension_numbers = #tpu.dot_dimension_numbers<[1], [0], [0], [1], [0, 0, 1, 1], [], []>, transpose_lhs_hint = false} : vector<2000x128xf32>, vector<128x64xf32>, vector<2000x64xf32> -> vector<2000x64xf32>
    %get3A_6 = arith.constant 0 : index
    %get3A_7 = arith.constant 0 : index
    %get3A_8 = vector.load %arg2[%get3A_6, %get3A_7] : memref<2000x128xf32, #tpu.memory_space<vmem>>, vector<2000x128xf32>
    %get3A_9 = arith.constant 0 : index
    %get3A_10 = arith.constant 0 : index
    %get3A_11 = vector.load %arg3[%get3A_9, %get3A_10] : memref<128x64xf32, #tpu.memory_space<vmem>>, vector<128x64xf32>
    %dot_general3A_12 = arith.constant dense<0.000000e+00> : vector<2000x64xf32>
    %dot_general3A_13 = tpu.matmul %get3A_8, %get3A_11, %dot_general3A_12 {dimension_numbers = #tpu.dot_dimension_numbers<[1], [0], [0], [1], [0, 0, 1, 1], [], []>, transpose_lhs_hint = false} : vector<2000x128xf32>, vector<128x64xf32>, vector<2000x64xf32> -> vector<2000x64xf32>
    %concatenate3A = tpu.concatenate %dot_general3A_5, %dot_general3A_13 in 1 : vector<2000x64xf32>, vector<2000x64xf32> -> vector<2000x128xf32>
    %get3A_14 = arith.constant 0 : index
    %get3A_15 = arith.constant 0 : index
    %get3A_16 = vector.load %arg4[%get3A_14, %get3A_15] : memref<1x64xf32, #tpu.memory_space<vmem>>, vector<1x64xf32>
    %get3A_17 = arith.constant 0 : index
    %get3A_18 = arith.constant 0 : index
    %get3A_19 = vector.load %arg4[%get3A_17, %get3A_18] : memref<1x64xf32, #tpu.memory_space<vmem>>, vector<1x64xf32>
    %concatenate3A_20 = tpu.concatenate %get3A_16, %get3A_19 in 1 : vector<1x64xf32>, vector<1x64xf32> -> vector<1x128xf32>
    %add3A = vector.broadcast %concatenate3A_20 : vector<1x128xf32> to vector<2000x128xf32>
    %add3A_21 = arith.addf %concatenate3A, %add3A : vector<2000x128xf32>
    %swap3A = arith.constant 0 : index
    %swap3A_22 = arith.constant 0 : index
    %swap3A_23 = vector.load %arg5[%swap3A, %swap3A_22] : memref<2000x128xf32, #tpu.memory_space<vmem>>, vector<2000x128xf32>
    tpu.vector_store %arg5[%swap3A, %swap3A_22], %add3A_21 {strides = array<i32>} : memref<2000x128xf32, #tpu.memory_space<vmem>>, vector<2000x128xf32>,
    return
  }
  func.func @transform_0(%arg0: i32) -> (i32, i32) {
    %c0_i32 = arith.constant 0 : i32
    %c0_i32_0 = arith.constant 0 : i32
    return %arg0, %c0_i32 : i32, i32
  }
  func.func @transform_1(%arg0: i32) -> (i32, i32) {
    %add3A = arith.constant 25 : i32
    %add3A_0 = arith.addi %arg0, %add3A : i32
    %c0_i32 = arith.constant 0 : i32
    %c0_i32_1 = arith.constant 0 : i32
    return %add3A_0, %c0_i32 : i32, i32
  }
  func.func @transform_2(%arg0: i32) -> (i32, i32) {
    %c0_i32 = arith.constant 0 : i32
    %c0_i32_0 = arith.constant 0 : i32
    %c0_i32_1 = arith.constant 0 : i32
    return %c0_i32, %c0_i32_0 : i32, i32
  }
  func.func @transform_3(%arg0: i32) -> (i32, i32) {
    %c0_i32 = arith.constant 0 : i32
    %c0_i32_0 = arith.constant 0 : i32
    %c0_i32_1 = arith.constant 0 : i32
    return %c0_i32, %c0_i32_0 : i32, i32
  }
  func.func @transform_4(%arg0: i32) -> (i32, i32) {
    %c0_i32 = arith.constant 0 : i32
    %c0_i32_0 = arith.constant 0 : i32
    return %arg0, %c0_i32 : i32, i32
  }
}

</mosaic_0001>

<sc_bundles>
// kernel: kernel.4.cloned.1.call-start
scs
__scs_entry_jumppad:
0x0: {  	(pc) =	sbr.rel $0x88, $3  }
0x1: {  	(tag) =	ssettag $0x0;
	lr =	simm.s32 $0x1  }
0x2: {  	[smem:$0x3F9D] =	sst lr;
	_ =	strace $0xD0000000  }
0x3: {  	_ = 	snop  }
0x4: {  	_ = 	snop  }
0x5: {  	_ = 	snop  }
0x6: {  	_ = 	snop  }
0x7: {  	_ = 	snop  }
__scs_overlays_trampoline_lowered:
0x8: {  	[smem:$0x3FAC] =	sst s0  }
0x9: {  	[smem:$0x3FAD] =	sst s1  }
0xa: {  	[smem:$0x3FAE] =	sst s2  }
0xb: {  	[smem:$0x3FAF] =	sst s3  }
0xc: {  	[smem:$0x3FB0] =	sst s4  }
0xd: {  	[smem:$0x3FB1] =	sst s5  }
0xe: {  	[smem:$0x3FB2] =	sst s6  }
0xf: {  	[smem:$0x3FB3] =	sst s7  }
0x10: {  	[smem:$0x3FB4] =	sst s8  }
0x11: {  	[smem:$0x3FB5] =	sst s9;
	s0 =	simm.s32 @!p0 $0x0  }
0x12: {  	s1 =	sld [smem:$0x3F9B];
	s0 =	simm.s32 @p0 $0x1  }
0x13: {  	[smem:$0x3FB6] =	sst s0;
	s0 =	simm.s32 @!p1 $0x0  }
0x14: {  	s2 =	sld [smem:$0x3F9A];
	s0 =	simm.s32 @p1 $0x1  }
0x15: {  	[smem:$0x3FB7] =	sst s0;
	s0 =	simm.s32 @!p2 $0x0  }
0x16: {  	s3 =	sld [smem:$0x3FDB];
	s0 =	simm.s32 @p2 $0x1  }
0x17: {  	s4 =	simm.s32 $0x1BF5;
	[smem:$0x3FB9] =	sst s0  }
0x18: {  	s0 =	sld [smem:$0x3F9C];
	_ =	swait.ge [sflag:s4], $0x0  }
0x19: {  	s7 =	sld [smem:$0x3F9D]  }
0x1a: {  	s8 =	sadd.s32 $0xFFFFE003, lr  }
0x1b: {  	s9 =	sadd.s32 $0xFFFFFEF7, lr;
	s5 =	simm.s32 $0xFFFFFFFF;
	p2 =	slt.u32 s8, $0xFFFFF086  }
0x1c: {  	p1 =	slt.u32 s9, $0xF7A;
	s5 =	simm.s32 @!p2 $0x0  }
0x1d: {  	s5 =	simm.s32 @p1 $0x1;
	p0 =	seq.s32 s7, s2  }
0x1e: {  	s7 =	smul.u32 @!p0 $0xF7A, s2;
	p2 =	seq.s32 @!p0 s5, $0x0  }
0x1f: {  	s9 =	smul.u32 $0xF7A, s1;
	s8 =	simm.s32 @!p0 $0x1BF5;
	p2 =	por !p2, p0  }
0x20: {  	[sflag:s8] =	ssyncset.s32 @!p0 $0xFFFFF086;
	s6 =	sadd.s32 @!p0 s3, s7;
	s7 =	simm.s32 @!p0 $0x108  }
0x21: {  	s3 =	sadd.s32 s3, s9;
	s6 =	sadd.s32 @!p0 $0x88, s6;
	s7 =	simm.s32 @p2 $0x1082  }
0x22: {  	[simem:s7], [sflag:s8] =	dma.local @!p0 [hbm:s6], $0xF7A  }
0x23: {  	s9 =	sor.u32 $0xD0000000, s2;
	s6 =	simm.s32 $0x108;
	_ =	swait.ge @!p0 [sflag:s8], $0x0  }
0x24: {  	s3 =	sadd.s32 $0x88, s3;
	s6 =	simm.s32 @!p1 $0x1082;
	[sflag:s4] =	ssyncset.s32 $0xFFFFF086  }
0x25: {  	[simem:s6], [sflag:s4] =	dma.local [hbm:s3], $0xF7A  }
0x26: {  	[smem:$0x3F9D] =	sst s1;
	(tag) =	ssettag s2;
	_ =	strace s9  }
0x27: {  	s1 =	sld [smem:$0x3FAD]  }
0x28: {  	s2 =	sld [smem:$0x3FAE]  }
0x29: {  	s4 =	sld [smem:$0x3FB0]  }
0x2a: {  	p0 =	seq.s32 s5, $0x0;
	s5 =	sld [smem:$0x3FB1]  }
0x2b: {  	s6 =	sld [smem:$0x3FB2]  }
0x2c: {  	s7 =	sld [smem:$0x3FB3]  }
0x2d: {  	s3 =	simm.s32 $0x108;
	s8 =	sld [smem:$0x3FB4]  }
0x2e: {  	s3 =	simm.s32 @!p0 $0x1082;
	s9 =	sld [smem:$0x3FB5]  }
0x2f: {  	lr =	sadd.s32 s0, s3;
	s0 =	sld [smem:$0x3FAC]  }
0x30: {  	s3 =	sld [smem:$0x3FAF]  }
0x31: {  	[smem:$0x3FB8] =	sst s10  }
0x32: {  	s10 =	sld [smem:$0x3FB6];
	_ =	sdelay $0x3  }
0x33: {  	p0 =	seq.s32 s10, $0x1;
	s10 =	sld [smem:$0x3FB8];
	_ =	sdelay $0x3  }
0x34: {  	[smem:$0x3FB8] =	sst s10  }
0x35: {  	s10 =	sld [smem:$0x3FB7];
	_ =	sdelay $0x3  }
0x36: {  	p1 =	seq.s32 s10, $0x1;
	s10 =	sld [smem:$0x3FB8];
	_ =	sdelay $0x3  }
0x37: {  	[smem:$0x3FB8] =	sst s10  }
0x38: {  	s10 =	sld [smem:$0x3FB9]  }
0x39: {  	_ = 	snop;
	(pc) =	sbr.ind lr, $3  }
0x3a: {  	_ = 	snop  }
0x3b: {  	_ = 	snop  }
0x3c: {  	p2 =	seq.s32 s10, $0x1;
	s10 =	sld [smem:$0x3FB8]  }
0x3d: {  	_ =	shalt  }
0x3e: {  	_ =	shalt  }
0x3f: {  	_ =	shalt  }
0x40: {  	_ =	shalt  }
0x41: {  	_ =	shalt  }
0x42: {  	_ =	shalt  }
0x43: {  	_ =	shalt  }
0x44: {  	_ =	shalt  }
0x45: {  	_ =	shalt  }
0x46: {  	_ =	shalt  }
0x47: {  	_ =	shalt  }
0x48: {  	_ =	shalt  }
0x49: {  	_ =	shalt  }
0x4a: {  	_ =	shalt  }
0x4b: {  	_ =	shalt  }
0x4c: {  	_ =	shalt  }
0x4d: {  	_ =	shalt  }
0x4e: {  	_ =	shalt  }
0x4f: {  	_ =	shalt  }
0x50: {  	_ =	shalt  }
0x51: {  	_ =	shalt  }
0x52: {  	_ =	shalt  }
0x53: {  	_ =	shalt  }
0x54: {  	_ =	shalt  }
0x55: {  	_ =	shalt  }
0x56: {  	_ =	shalt  }
0x57: {  	_ =	shalt  }
0x58: {  	_ =	shalt  }
0x59: {  	_ =	shalt  }
0x5a: {  	_ =	shalt  }
0x5b: {  	_ =	shalt  }
0x5c: {  	_ =	shalt  }
0x5d: {  	_ =	shalt  }
0x5e: {  	_ =	shalt  }
0x5f: {  	_ =	shalt  }
0x60: {  	_ =	shalt  }
0x61: {  	_ =	shalt  }
0x62: {  	_ =	shalt  }
0x63: {  	_ =	shalt  }
0x64: {  	_ =	shalt  }
0x65: {  	_ =	shalt  }
0x66: {  	_ =	shalt  }
0x67: {  	_ =	shalt  }
0x68: {  	_ =	shalt  }
0x69: {  	_ =	shalt  }
0x6a: {  	_ =	shalt  }
0x6b: {  	_ =	shalt  }
0x6c: {  	_ =	shalt  }
0x6d: {  	_ =	shalt  }
0x6e: {  	_ =	shalt  }
0x6f: {  	_ =	shalt  }
0x70: {  	_ =	shalt  }
0x71: {  	_ =	shalt  }
0x72: {  	_ =	shalt  }
0x73: {  	_ =	shalt  }
0x74: {  	_ =	shalt  }
0x75: {  	_ =	shalt  }
0x76: {  	_ =	shalt  }
0x77: {  	_ =	shalt  }
0x78: {  	_ =	shalt  }
0x79: {  	_ =	shalt  }
0x7a: {  	_ =	shalt  }
0x7b: {  	_ =	shalt  }
0x7c: {  	_ =	shalt  }
0x7d: {  	_ =	shalt  }
0x7e: {  	_ =	shalt  }
0x7f: {  	_ =	shalt  }
0x80: {  	_ =	shalt  }
0x81: {  	_ =	shalt  }
0x82: {  	_ =	shalt  }
0x83: {  	_ =	shalt  }
0x84: {  	_ =	shalt  }
0x85: {  	_ =	shalt  }
0x86: {  	_ =	shalt  }
0x87: {  	_ =	shalt  }
.Lfunc_end0:
.L_simem_size_0:
called_computation_lowered:
.L_overlay_start_0:
0x88: {  	s2 =	sld [smem:$0x3FD9]  }
0x89: {  	s3 =	sld [smem:$0x3FFE];
	_ =	sdelay $0x1  }
0x8a: {  	s1 =	srdreg.scid  }
0x8b: {  	s0 =	sand.u32 $0x1, s1  }
0x8c: {  	s17 =	sshll.u32 s0, $0xA;
	s2 =	sadd.s32 s3, s2  }
0x8d: {  	s2 =	sadd.s32 s2, s17  }
0x8e: {  	[smem:$0x3FC4] =	sst s2  }
0x8f: {  	_ = 	snop  }
0x90: {  	s2 =	sld [smem:$0x3FD0];
	(tm) =	ssettm $0x1  }
0x91: {  	s18 =	sld [smem:$0x3FFB];
	_ =	sdelay $0x3  }
0x92: {  	_ =	strace s18  }
0x93: {  	s3 =	sld [smem:$0x3FFC];
	_ =	sdelay $0x3  }
0x94: {  	_ =	strace s3  }
0x95: {  	s3 =	sld [smem:$0x3FFD];
	_ =	sdelay $0x3  }
0x96: {  	_ =	strace s3  }
0x97: {  	_ =	strace $0x8FFFFFFF  }
0x98: {  	s19 =	sld [smem:$0x3FDB];
	_ =	sdelay $0x1  }
0x99: {  	s4 =	simm.s32 $_scs_section_size  }
0x9a: {  	s5 =	simm.s32 $_size__tile_overlayer_lowered;
	s6 =	simm.s32 $_tile_overlayer_lowered  }
0x9b: {  	s22 =	simm.s32 $0x1BFF;
	s21 =	sshll.u32 s6, $0x1;
	s3 =	sadd.s32 s4, s19  }
0x9c: {  	s7 =	simm.s32 $0x0;
	s20 =	sshll.u32 s5, $0x1;
	s5 =	sadd.s32 s21, s3  }
0x9d: {  	[timem:s7], [sflag:s22] =	dma.local [hbm:s5], s20  }
0x9e: {  	_ =	swait.ge [sflag:s22], s20  }
0x9f: {  	s4 =	ssub.s32 $0x0, s20;
	[sflag:s22] =	ssyncset.done $0x0  }
0xa0: {  	[sflag:s22] =	ssyncadd.s32 s4;
	_ =	sdelay $0x1  }
0xa1: {  	s23 =	simm.s32 $0x1B8B  }
0xa2: {  	_ =	swait.ge [sflag:s23], $0x1  }
0xa3: {  	[sflag:s23] =	ssyncset.done $0x0  }
0xa4: {  	s25 =	simm.s32 $0x1B8E;
	s24 =	sld [smem:$0x3FFE];
	[sflag:s23] =	ssyncadd.s32 $0xFFFFFFFF  }
0xa5: {  	s26 =	simm.s32 $execute0_lowered;
	[smem:$0x3FD2] =	sst s25  }
0xa6: {  	s5 =	sshll.u32 s26, $0x1;
	_ =	strace $0x80000046;
	[dreg:$0x1] =	wrdreg $0xFFFFFFFF  }
0xa7: {  	s28 =	simm.s32 $_size_execute0_lowered;
	s3 =	sadd.s32 s3, s5;
	[dreg:$0x0] =	wrdreg $0x0  }
0xa8: {  	s5 =	sshll.u32 s28, $0x1;
	[dreg:$0x2] =	wrdreg s3  }
0xa9: {  	[dreg:$0x3] =	wrdreg s5  }
0xaa: {  	[dreg:$0x4] =	wrdreg $0xC0  }
0xab: {  	_ =	task [dreg:s7], $0x5FFFF  }
0xac: {  	[dreg:$0x1] =	wrdreg $0xFFFFFFFF  }
0xad: {  	[dreg:$0x0] =	wrdreg $0x60  }
0xae: {  	[dreg:$0x2] =	wrdreg s24  }
0xaf: {  	[dreg:$0x3] =	wrdreg s2  }
0xb0: {  	[dreg:$0x4] =	wrdreg $0x9  }
0xb1: {  	_ =	task.clear_ibuf [dreg:s7], $0x5FFFF;
	_ =	strace $0x90000046  }
0xb2: {  	s29 =	simm.s32 $0x9;
	_ =	strace $0x80000048  }
0xb3: {  	_ =	swait.ge [sflag:s29], $0x1  }
0xb4: {  	[sflag:s29] =	ssyncadd.s32 $0xFFFFFFFF  }
0xb5: {  	_ =	strace $0x90000048  }
0xb6: {  	_ =	sfence  }
0xb7: {  	s30 =	sld [smem:$0x0];
	_ =	sdelay $0x2  }
0xb8: {  	s31 =	sshll.u32 s1, $0xD;
	s1 =	sshrl.u32 s1, $0x2  }
0xb9: {  	s3 =	sand.u32 $0x4000, s31;
	s1 =	sadd.s32 s1, s30  }
0xba: {  	s0 =	sor.u32 s3, s0;
	s1 =	sshll.u32 s1, $0x11  }
0xbb: {  	s0 =	sor.u32 s1, s0  }
0xbc: {  	s0 =	sadd.s32 $0x8F2B, s0  }
0xbd: {  	[sflag:s0] =	ssyncadd.remote.s32 $0x1  }
0xbe: {  	_ =	sfence.sel $0xFFFF  }
0xbf: {  	[dreg:$0x0] =	wrdreg $0xFFFFFFFF;
	(pc) =	sbr.abs _section_cstart, $3  }
0xc0: {  	[dreg:$0x1] =	wrdreg $0xFFFFFFFF  }
0xc1: {  	_ =	task.clear_ibuf [dreg:s7], $0x2FFFF;
	_ =	strace $0x9FFFFFFF  }
0xc2: {  	(tm) =	ssettm $0x7FFFFFFF  }
0xc3: {  	_ =	shalt  }
tec
execute0_lowered:
.L_overlay_start_1:
0x0: {  	(tag) =	ssettag $0x1  }
0x1: {  	s5 =	rddreg [dreg:$0x0]  }
0x2: {  	s2 =	rddreg [dreg:$0x1];
	s3 =	srdreg.scid  }
0x3: {  	s0 =	rddreg [dreg:$0x2];
	s1 =	stileid.u32;
	s9 =	simm.s32 $0x1000  }
0x4: {  	s10 =	simm.s32 $0x3;
	s11 =	simm.s32 $0x6400;
	s12 =	simm.s32 $0x8400  }
0x5: {  	s13 =	simm.s32 $0x1;
	s14 =	simm.s32 $0xA400;
	s15 =	simm.s32 $0x2  }
0x6: {  	v0 =	vlaneseq.u32;
	s16 =	simm.s32 $0xC400;
	s17 =	simm.s32 $0x0;
	s6 =	sand.u32 $0x1, s3  }
0x7: {  	s3 =	simm.s32 $0x0;
	s4 =	sshll.u32 s1, $0x8;
	v1 =	vmul.u32 $0x40, v0;
	v3 =	vor.u32 $0x10, v0;
	v5 =	vor.u32 $0x20, v0;
	s7 =	sshll.u32 s6, $0x7  }
0x8: {  	v7 =	vor.u32 $0x30, v0;
	v9 =	vor.u32 $0x40, v0;
	v11 =	vor.u32 $0x50, v0;
	[smem:$0x7FF] =	sst s3;
	s6 =	ssub.s32 $0x2, s6;
	s4 =	sor.u32 s7, s4  }
0x9: {  	v13 =	vor.u32 $0x60, v0;
	v15 =	vor.u32 $0x70, v0;
	_ =	strace $0x80000047;
	s8 =	sshrl.u32 s6, $0x1;
	v2 =	vor.u32 $0x400, v1;
	s7 =	sshrl.u32 s4, $0x3  }
0xa: {  	v4 =	vor.u32 $0x800, v1;
	v6 =	vor.u32 $0xC00, v1;
	v8 =	vor.u32 $0x1000, v1;
	s8 =	ssub.s32 s6, s8;
	s7 =	sadd.s32 s7, s5;
	s5 =	sadd.s32 $0x19600, s5  }
0xb: {  	v10 =	vor.u32 $0x1400, v1;
	v12 =	vor.u32 $0x1800, v1;
	v14 =	vor.u32 $0x1C00, v1;
	s6 =	sadd.s32 $0x600, s7;
	s7 =	smax.u32 s8, $0x1;
	s8 =	simm.s32 $0x80  }
.LBB2_1:
0xc: {  	[tilespmem:s3], [sflag:$0x3] =	stream.strided.gather [hbm4b:s6+s8], $0x6400, s9, s8, $0x38;
	[tilespmem:$0xE400] =	vst v63  }
0xd: {  	_ =	swait.ge [sflag:s10], $0x6400  }
0xe: {  	[sflag:s10] =	ssyncset.done $0x0  }
0xf: {  	s18 =	simm.s32 $0x0;
	[sflag:s10] =	ssyncadd.s32 $0xFFFF9C00  }
0x10: {  	[tilespmem:s11], [sflag:$0x1] =	stream.indirect.gather [hbm4b:s2+s8], $0x40, s3, s8, $0xb8;
	[tilespmem:$0xE400] =	vst v63  }
.LBB2_2:
0x11: {  	s19 =	sshllo.u32 s18, $0x1  }
0x12: {  	s20 =	sshll.u32 s19, $0x7  }
0x13: {  	s20 =	sand.u32 $0x3FFFFF80, s20  }
0x14: {  	[tilespmem:s12], [sflag:$0x1] =	stream.indirect.gather [hbm4b:s2+s8], $0x40, s20, s8, $0xb8;
	[tilespmem:$0xE400] =	vst v63  }
0x15: {  	v27 =	vimm.s32 $0x0;
	_ =	swait.ge [sflag:s13], $0x2000  }
0x16: {  	p0 =	seq.s32 s18, $0x0;
	v17 =	vadd.s32 v1, v27;
	[sflag:s13] =	ssyncset.done $0x0  }
0x17: {  	s20 =	simm.s32 @!p0 $0x2;
	[sflag:s13] =	ssyncadd.s32 $0xFFFFE000  }
0x18: {  	_ =	swait.ge @!p0 [sflag:s20], $0x2000  }
0x19: {  	[sflag:s20] =	ssyncset.done @!p0 $0x0  }
0x1a: {  	v16 =	vshll.u32 v27, $0x7;
	[sflag:s20] =	ssyncadd.s32 @!p0 $0xFFFFE000  }
0x1b: {  	v18 =	vor.u32 v0, v16;
	v17 =	vld.idx.msk [tilespmem:v17+s11+$0x0], $0xffff  }
0x1c: {  	v20 =	vadd.s32 v2, v27  }
0x1d: {  	v19 =	vadd.s32 $0x1, v27  }
0x1e: {  	v21 =	vadd.s32 v1, v19;
	_ =	sdelay $0x1  }
0x1f: {  	[tilespmem:v18+s14+$0x0] =	vst.idx.msk $0xffff, v17  }
0x20: {  	v18 =	vld.idx.msk [tilespmem:v20+s11+$0x0], $0xffff;
	v20 =	vor.u32 v3, v16  }
0x21: {  	v22 =	vadd.s32 v4, v27;
	v17 =	vshll.u32 v19, $0x7  }
0x22: {  	v21 =	vld.idx.msk [tilespmem:v21+s11+$0x0], $0xffff;
	v23 =	vor.u32 v0, v17  }
0x23: {  	v24 =	vadd.s32 v2, v19;
	_ =	sdelay $0x1  }
0x24: {  	[tilespmem:v20+s14+$0x0] =	vst.idx.msk $0xffff, v18;
	v20 =	vadd.s32 $0x1, v19  }
0x25: {  	v26 =	vor.u32 v5, v16;
	v22 =	vld.idx.msk [tilespmem:v22+s11+$0x0], $0xffff;
	v25 =	vadd.s32 v1, v20  }
0x26: {  	[tilespmem:v23+s14+$0x0] =	vst.idx.msk $0xffff, v21;
	v21 =	vadd.s32 v6, v27  }
0x27: {  	v23 =	vld.idx.msk [tilespmem:v24+s11+$0x0], $0xffff;
	v24 =	vor.u32 v3, v17;
	_ =	sdelay $0x1  }
0x28: {  	v28 =	vadd.s32 v4, v19;
	v18 =	vshll.u32 v20, $0x7  }
0x29: {  	v25 =	vld.idx.msk [tilespmem:v25+s11+$0x0], $0xffff;
	[tilespmem:v26+s14+$0x0] =	vst.idx.msk $0xffff, v22;
	v26 =	vor.u32 v0, v18  }
0x2a: {  	v30 =	vor.u32 v7, v16;
	v29 =	vadd.s32 v2, v20;
	v21 =	vld.idx.msk [tilespmem:v21+s11+$0x0], $0xffff  }
0x2b: {  	[tilespmem:v24+s14+$0x0] =	vst.idx.msk $0xffff, v23;
	v23 =	vadd.s32 v8, v27  }
0x2c: {  	v22 =	vadd.s32 $0x1, v20  }
0x2d: {  	v31 =	vor.u32 v5, v17;
	v24 =	vld.idx.msk [tilespmem:v28+s11+$0x0], $0xffff;
	v28 =	vadd.s32 v1, v22  }
0x2e: {  	v32 =	vadd.s32 v6, v19;
	[tilespmem:v26+s14+$0x0] =	vst.idx.msk $0xffff, v25  }
0x2f: {  	v26 =	vor.u32 v3, v18;
	v25 =	vld.idx.msk [tilespmem:v29+s11+$0x0], $0xffff;
	[tilespmem:v30+s14+$0x0] =	vst.idx.msk $0xffff, v21  }
0x30: {  	v30 =	vor.u32 v9, v16;
	v23 =	vld.idx.msk [tilespmem:v23+s11+$0x0], $0xffff  }
0x31: {  	v29 =	vadd.s32 v4, v20;
	v21 =	vshll.u32 v22, $0x7  }
0x32: {  	v33 =	vadd.s32 v10, v27;
	v28 =	vld.idx.msk [tilespmem:v28+s11+$0x0], $0xffff;
	[tilespmem:v31+s14+$0x0] =	vst.idx.msk $0xffff, v24;
	v31 =	vor.u32 v0, v21  }
0x33: {  	v35 =	vor.u32 v7, v17;
	v34 =	vadd.s32 v2, v22;
	v32 =	vld.idx.msk [tilespmem:v32+s11+$0x0], $0xffff  }
0x34: {  	v36 =	vadd.s32 v8, v19;
	v24 =	vadd.s32 $0x1, v22;
	[tilespmem:v26+s14+$0x0] =	vst.idx.msk $0xffff, v25  }
0x35: {  	[tilespmem:v30+s14+$0x0] =	vst.idx.msk $0xffff, v23;
	v23 =	vadd.s32 v1, v24  }
0x36: {  	v26 =	vor.u32 v5, v18;
	v25 =	vld.idx.msk [tilespmem:v29+s11+$0x0], $0xffff  }
0x37: {  	[tilespmem:v31+s14+$0x0] =	vst.idx.msk $0xffff, v28;
	v28 =	vadd.s32 v6, v20;
	v31 =	vor.u32 v11, v16;
	v29 =	vld.idx.msk [tilespmem:v33+s11+$0x0], $0xffff  }
0x38: {  	v62 =	vadd.s32 v12, v27;
	v63 =	vor.u32 v3, v21;
	[tilespmem:v35+s14+$0x0] =	vst.idx.msk $0xffff, v32;
	v61 =	vld.idx.msk [tilespmem:v34+s11+$0x0], $0xffff  }
0x39: {  	v40 =	vor.u32 v9, v17;
	v39 =	vadd.s32 v4, v22;
	v38 =	vld.idx.msk [tilespmem:v36+s11+$0x0], $0xffff  }
0x3a: {  	v41 =	vadd.s32 v10, v19;
	v34 =	vld.idx.msk [tilespmem:v23+s11+$0x0], $0xffff;
	v23 =	vshll.u32 v24, $0x7  }
0x3b: {  	[tilespmem:v26+s14+$0x0] =	vst.idx.msk $0xffff, v25;
	v36 =	vor.u32 v0, v23  }
0x3c: {  	v37 =	vadd.s32 v2, v24;
	v30 =	vld.idx.msk [tilespmem:v28+s11+$0x0], $0xffff;
	[tilespmem:v31+s14+$0x0] =	vst.idx.msk $0xffff, v29;
	v31 =	vor.u32 v7, v18  }
0x3d: {  	v32 =	vadd.s32 v8, v20;
	[tilespmem:v63+s14+$0x0] =	vst.idx.msk $0xffff, v61;
	v28 =	vor.u32 v13, v16;
	v26 =	vld.idx.msk [tilespmem:v62+s11+$0x0], $0xffff  }
0x3e: {  	v27 =	vadd.s32 v14, v27;
	v25 =	vadd.s32 $0x1, v24;
	[tilespmem:v40+s14+$0x0] =	vst.idx.msk $0xffff, v38;
	v33 =	vld.idx.msk [tilespmem:v39+s11+$0x0], $0xffff  }
0x3f: {  	s20 =	simm.s32 $0x3A;
	v35 =	vor.u32 v5, v21;
	v38 =	vadd.s32 v1, v25;
	v29 =	vld.idx.msk [tilespmem:v41+s11+$0x0], $0xffff  }
.LBB2_3:
0x40: {  	p1 =	sne.s32 s20, $0x1;
	[tilespmem:v36+s14+$0x0] =	vst.idx.msk $0xffff, v34;
	v39 =	vadd.s32 v6, v22;
	v40 =	vor.u32 v11, v17;
	v41 =	vmov v20  }
0x41: {  	v43 =	vadd.s32 v12, v19;
	v20 =	vmov v22;
	v22 =	vmov v24;
	v42 =	vld.idx.msk [tilespmem:v37+s11+$0x0], $0xffff;
	[tilespmem:v31+s14+$0x0] =	vst.idx.msk $0xffff, v30  }
0x42: {  	v44 =	vor.u32 v3, v23;
	v24 =	vmov v25;
	v45 =	vld.idx.msk [tilespmem:v32+s11+$0x0], $0xffff;
	[tilespmem:v28+s14+$0x0] =	vst.idx.msk $0xffff, v26  }
0x43: {  	v47 =	vor.u32 v9, v18;
	v46 =	vadd.s32 v4, v22;
	v48 =	vadd.s32 v10, v41;
	v49 =	vld.idx.msk [tilespmem:v27+s11+$0x0], $0xffff  }
0x44: {  	v50 =	vor.u32 v15, v16;
	v16 =	vmov v17;
	v27 =	vshll.u32 v25, $0x7;
	v34 =	vld.idx.msk [tilespmem:v38+s11+$0x0], $0xffff;
	[tilespmem:v35+s14+$0x0] =	vst.idx.msk $0xffff, v33  }
.Ltmp0:
0x45: {  	v17 =	vmov v18;
	v18 =	vmov v21;
	v36 =	vor.u32 v0, v27;
	v30 =	vld.idx.msk [tilespmem:v39+s11+$0x0], $0xffff;
	[tilespmem:v40+s14+$0x0] =	vst.idx.msk $0xffff, v29;
	(pc) =	sbr.rel @p1 .LBB2_3-.Ltmp0, $4  }
0x46: {  	v21 =	vmovc v23;
	v37 =	vadd.s32 v2, v25;
	v31 =	vor.u32 v7, v18;
	v23 =	vmov v27;
	v26 =	vld.idx.msk [tilespmem:v43+s11+$0x0], $0xffff  }
0x47: {  	v32 =	vadd.s32 v8, v20;
	v28 =	vor.u32 v13, v16;
	[tilespmem:v44+s14+$0x0] =	vst.idx.msk $0xffff, v42  }
0x48: {  	v25 =	vadd.s32 $0x1, v25;
	v27 =	vadd.s32 v14, v19;
	v19 =	vmov v41;
	v33 =	vld.idx.msk [tilespmem:v46+s11+$0x0], $0xffff;
	[tilespmem:v47+s14+$0x0] =	vst.idx.msk $0xffff, v45  }
0x49: {  	s20 =	sadd.s32 $0xFFFFFFFF, s20;
	v38 =	vadd.s32 v1, v25;
	v35 =	vor.u32 v5, v21;
	v29 =	vld.idx.msk [tilespmem:v48+s11+$0x0], $0xffff;
	[tilespmem:v50+s14+$0x0] =	vst.idx.msk $0xffff, v49  }
0x4a: {  	_ =	sdelay $0x2  }
0x4b: {  	v39 =	vshll.u32 v25, $0x7  }
0x4c: {  	v38 =	vld.idx.msk [tilespmem:v38+s11+$0x0], $0xffff;
	v40 =	vor.u32 v0, v39  }
0x4d: {  	v41 =	vadd.s32 v2, v25;
	_ =	sdelay $0x2  }
0x4e: {  	[tilespmem:v36+s14+$0x0] =	vst.idx.msk $0xffff, v34  }
0x4f: {  	v55 =	vor.u32 v3, v23;
	v34 =	vld.idx.msk [tilespmem:v37+s11+$0x0], $0xffff;
	[tilespmem:v40+s14+$0x0] =	vst.idx.msk $0xffff, v38  }
0x50: {  	v56 =	vadd.s32 v4, v24;
	v57 =	vor.u32 v3, v39;
	v38 =	vld.idx.msk [tilespmem:v41+s11+$0x0], $0xffff  }
0x51: {  	v58 =	vadd.s32 v4, v25;
	_ =	sdelay $0x2  }
0x52: {  	v59 =	vadd.s32 v6, v22;
	[tilespmem:v55+s14+$0x0] =	vst.idx.msk $0xffff, v34  }
0x53: {  	v60 =	vor.u32 v5, v23;
	v36 =	vld.idx.msk [tilespmem:v56+s11+$0x0], $0xffff;
	[tilespmem:v57+s14+$0x0] =	vst.idx.msk $0xffff, v38  }
0x54: {  	v61 =	vadd.s32 v6, v24;
	v62 =	vor.u32 v5, v39;
	v40 =	vld.idx.msk [tilespmem:v58+s11+$0x0], $0xffff  }
0x55: {  	v42 =	vadd.s32 v6, v25  }
0x56: {  	[tilespmem:v35+s14+$0x0] =	vst.idx.msk $0xffff, v33  }
0x57: {  	v63 =	vor.u32 v7, v21;
	v33 =	vld.idx.msk [tilespmem:v59+s11+$0x0], $0xffff  }
0x58: {  	v45 =	vadd.s32 v8, v22;
	[tilespmem:v60+s14+$0x0] =	vst.idx.msk $0xffff, v36  }
0x59: {  	v46 =	vor.u32 v7, v23;
	v36 =	vld.idx.msk [tilespmem:v61+s11+$0x0], $0xffff;
	[tilespmem:v62+s14+$0x0] =	vst.idx.msk $0xffff, v40  }
0x5a: {  	v47 =	vadd.s32 v8, v24;
	v48 =	vor.u32 v7, v39;
	v40 =	vld.idx.msk [tilespmem:v42+s11+$0x0], $0xffff  }
0x5b: {  	v49 =	vadd.s32 v8, v25;
	[tilespmem:v31+s14+$0x0] =	vst.idx.msk $0xffff, v30  }
0x5c: {  	v50 =	vor.u32 v9, v18;
	v30 =	vld.idx.msk [tilespmem:v32+s11+$0x0], $0xffff;
	[tilespmem:v63+s14+$0x0] =	vst.idx.msk $0xffff, v33  }
0x5d: {  	v51 =	vadd.s32 v10, v20;
	v52 =	vor.u32 v9, v21;
	v33 =	vld.idx.msk [tilespmem:v45+s11+$0x0], $0xffff  }
0x5e: {  	v53 =	vadd.s32 v10, v22;
	[tilespmem:v46+s14+$0x0] =	vst.idx.msk $0xffff, v36  }
0x5f: {  	v54 =	vor.u32 v9, v23;
	v36 =	vld.idx.msk [tilespmem:v47+s11+$0x0], $0xffff;
	[tilespmem:v48+s14+$0x0] =	vst.idx.msk $0xffff, v40  }
0x60: {  	v55 =	vadd.s32 v10, v24;
	v56 =	vor.u32 v9, v39;
	v40 =	vld.idx.msk [tilespmem:v49+s11+$0x0], $0xffff  }
0x61: {  	[tilespmem:v50+s14+$0x0] =	vst.idx.msk $0xffff, v30;
	v57 =	vadd.s32 v10, v25  }
0x62: {  	v59 =	vor.u32 v11, v18;
	v31 =	vld.idx.msk [tilespmem:v51+s11+$0x0], $0xffff;
	[tilespmem:v52+s14+$0x0] =	vst.idx.msk $0xffff, v33  }
0x63: {  	v60 =	vadd.s32 v12, v20;
	v61 =	vor.u32 v11, v21;
	v34 =	vld.idx.msk [tilespmem:v53+s11+$0x0], $0xffff  }
0x64: {  	v43 =	vor.u32 v11, v17;
	v62 =	vadd.s32 v12, v22;
	[tilespmem:v54+s14+$0x0] =	vst.idx.msk $0xffff, v36  }
0x65: {  	v63 =	vor.u32 v11, v23;
	v58 =	vadd.s32 v12, v19;
	v37 =	vld.idx.msk [tilespmem:v55+s11+$0x0], $0xffff;
	[tilespmem:v56+s14+$0x0] =	vst.idx.msk $0xffff, v40  }
0x66: {  	v45 =	vadd.s32 v12, v24;
	v46 =	vor.u32 v11, v39;
	v41 =	vld.idx.msk [tilespmem:v57+s11+$0x0], $0xffff  }
0x67: {  	[tilespmem:v59+s14+$0x0] =	vst.idx.msk $0xffff, v31;
	v47 =	vadd.s32 v12, v25  }
0x68: {  	v50 =	vor.u32 v13, v18;
	v32 =	vld.idx.msk [tilespmem:v60+s11+$0x0], $0xffff;
	[tilespmem:v61+s14+$0x0] =	vst.idx.msk $0xffff, v34  }
0x69: {  	[tilespmem:v43+s14+$0x0] =	vst.idx.msk $0xffff, v29;
	v51 =	vadd.s32 v14, v20;
	v52 =	vor.u32 v13, v21;
	v34 =	vld.idx.msk [tilespmem:v62+s11+$0x0], $0xffff  }
0x6a: {  	v53 =	vadd.s32 v14, v22;
	v30 =	vld.idx.msk [tilespmem:v58+s11+$0x0], $0xffff;
	v48 =	vor.u32 v13, v17;
	[tilespmem:v63+s14+$0x0] =	vst.idx.msk $0xffff, v37  }
0x6b: {  	v49 =	vadd.s32 v14, v19;
	v55 =	vor.u32 v13, v23;
	v54 =	vld.idx.msk [tilespmem:v45+s11+$0x0], $0xffff;
	[tilespmem:v46+s14+$0x0] =	vst.idx.msk $0xffff, v41  }
0x6c: {  	[tilespmem:v28+s14+$0x0] =	vst.idx.msk $0xffff, v26;
	v58 =	vor.u32 v13, v39;
	v56 =	vadd.s32 v14, v24;
	v57 =	vld.idx.msk [tilespmem:v47+s11+$0x0], $0xffff  }
0x6d: {  	v16 =	vor.u32 v15, v16;
	v27 =	vld.idx.msk [tilespmem:v27+s11+$0x0], $0xffff;
	v59 =	vadd.s32 v14, v25;
	[tilespmem:v50+s14+$0x0] =	vst.idx.msk $0xffff, v32  }
0x6e: {  	v60 =	vor.u32 v15, v18;
	v20 =	vld.idx.msk [tilespmem:v51+s11+$0x0], $0xffff;
	[tilespmem:v52+s14+$0x0] =	vst.idx.msk $0xffff, v34  }
0x6f: {  	v61 =	vor.u32 v15, v21;
	[tilespmem:v48+s14+$0x0] =	vst.idx.msk $0xffff, v30;
	v22 =	vld.idx.msk [tilespmem:v53+s11+$0x0], $0xffff  }
0x70: {  	v17 =	vor.u32 v15, v17;
	v19 =	vld.idx.msk [tilespmem:v49+s11+$0x0], $0xffff;
	[tilespmem:v55+s14+$0x0] =	vst.idx.msk $0xffff, v54  }
0x71: {  	v62 =	vor.u32 v15, v23;
	v24 =	vld.idx.msk [tilespmem:v56+s11+$0x0], $0xffff;
	[tilespmem:v58+s14+$0x0] =	vst.idx.msk $0xffff, v57  }
0x72: {  	[tilespmem:v16+s14+$0x0] =	vst.idx.msk $0xffff, v27;
	v63 =	vor.u32 v15, v39;
	v16 =	vld.idx.msk [tilespmem:v59+s11+$0x0], $0xffff  }
0x73: {  	p1 =	sne.s32 s18, $0x63;
	[tilespmem:v60+s14+$0x0] =	vst.idx.msk $0xffff, v20  }
.Ltmp1:
0x74: {  	s20 =	sshll.u32 s18, $0x13;
	[tilespmem:v61+s14+$0x0] =	vst.idx.msk $0xffff, v22;
	(pc) =	sbr.rel @p1 .LBB2_6-.Ltmp1, $4  }
0x75: {  	s20 =	sor.u32 s4, s20;
	[tilespmem:v17+s14+$0x0] =	vst.idx.msk $0xffff, v19  }
0x76: {  	s20 =	sshrl.u32 s20, $0x3;
	[tilespmem:v62+s14+$0x0] =	vst.idx.msk $0xffff, v24  }
0x77: {  	s20 =	sadd.s32 s5, s20;
	[tilespmem:v63+s14+$0x0] =	vst.idx.msk $0xffff, v16  }
0x78: {  	[hbm4b:s20+s8] =	stream.strided.scatter [tilespmem:s14], [sflag:$0x2], $0x2000, s9, s8, $0x38;
	[tilespmem:$0xE400] =	vst v63  }
.Ltmp2:
0x79: {  	(pc) =	sbr.rel .LBB2_7-.Ltmp2, $4  }
0x7a: {  	_ = 	snop  }
0x7b: {  	_ =	swait.ge [sflag:s13], $0x2000  }
0x7c: {  	[sflag:s13] =	ssyncset.done $0x0  }
0x7d: {  	[sflag:s13] =	ssyncadd.s32 $0xFFFFE000  }
.LBB2_6:
0x7e: {  	s20 =	sshll.u32 s18, $0x8  }
0x7f: {  	s20 =	sand.u32 $0x3FFFFF00, s20  }
.Ltmp3:
0x80: {  	s20 =	sadd.s32 $0x100, s20;
	(pc) =	sbr.rel @p0 .LBB2_8-.Ltmp3, $4  }
0x81: {  	[tilespmem:s11], [sflag:$0x1] =	stream.indirect.gather [hbm4b:s2+s8], $0x40, s20, s8, $0xb8;
	[tilespmem:$0xE400] =	vst v63  }
0x82: {  	_ =	swait.ge [sflag:s13], $0x2000  }
0x83: {  	[sflag:s13] =	ssyncset.done $0x0  }
0x84: {  	[sflag:s13] =	ssyncadd.s32 $0xFFFFE000  }
.LBB2_7:
0x85: {  	_ =	swait.ge [sflag:s15], $0x2000  }
0x86: {  	[sflag:s15] =	ssyncset.done $0x0  }
0x87: {  	[sflag:s15] =	ssyncadd.s32 $0xFFFFE000  }
.LBB2_8:
0x88: {  	v27 =	vimm.s32 $0x0  }
0x89: {  	v17 =	vadd.s32 v1, v27;
	_ =	sdelay $0x3  }
0x8a: {  	v16 =	vshll.u32 v27, $0x7  }
0x8b: {  	v18 =	vor.u32 v0, v16;
	v17 =	vld.idx.msk [tilespmem:v17+s12+$0x0], $0xffff  }
0x8c: {  	v20 =	vadd.s32 v2, v27  }
0x8d: {  	v19 =	vadd.s32 $0x1, v27  }
0x8e: {  	v21 =	vadd.s32 v1, v19;
	_ =	sdelay $0x1  }
0x8f: {  	[tilespmem:v18+s16+$0x0] =	vst.idx.msk $0xffff, v17  }
0x90: {  	v18 =	vld.idx.msk [tilespmem:v20+s12+$0x0], $0xffff;
	v20 =	vor.u32 v3, v16  }
0x91: {  	v22 =	vadd.s32 v4, v27;
	v17 =	vshll.u32 v19, $0x7  }
0x92: {  	v21 =	vld.idx.msk [tilespmem:v21+s12+$0x0], $0xffff;
	v23 =	vor.u32 v0, v17  }
0x93: {  	v24 =	vadd.s32 v2, v19;
	_ =	sdelay $0x1  }
0x94: {  	[tilespmem:v20+s16+$0x0] =	vst.idx.msk $0xffff, v18;
	v20 =	vadd.s32 $0x1, v19  }
0x95: {  	v26 =	vor.u32 v5, v16;
	v22 =	vld.idx.msk [tilespmem:v22+s12+$0x0], $0xffff;
	v25 =	vadd.s32 v1, v20  }
0x96: {  	[tilespmem:v23+s16+$0x0] =	vst.idx.msk $0xffff, v21;
	v21 =	vadd.s32 v6, v27  }
0x97: {  	v23 =	vld.idx.msk [tilespmem:v24+s12+$0x0], $0xffff;
	v24 =	vor.u32 v3, v17;
	_ =	sdelay $0x1  }
0x98: {  	v28 =	vadd.s32 v4, v19;
	v18 =	vshll.u32 v20, $0x7  }
0x99: {  	v25 =	vld.idx.msk [tilespmem:v25+s12+$0x0], $0xffff;
	[tilespmem:v26+s16+$0x0] =	vst.idx.msk $0xffff, v22;
	v26 =	vor.u32 v0, v18  }
0x9a: {  	v30 =	vor.u32 v7, v16;
	v29 =	vadd.s32 v2, v20;
	v21 =	vld.idx.msk [tilespmem:v21+s12+$0x0], $0xffff  }
0x9b: {  	[tilespmem:v24+s16+$0x0] =	vst.idx.msk $0xffff, v23;
	v23 =	vadd.s32 v8, v27  }
0x9c: {  	v22 =	vadd.s32 $0x1, v20  }
0x9d: {  	v31 =	vor.u32 v5, v17;
	v24 =	vld.idx.msk [tilespmem:v28+s12+$0x0], $0xffff;
	v28 =	vadd.s32 v1, v22  }
0x9e: {  	v32 =	vadd.s32 v6, v19;
	[tilespmem:v26+s16+$0x0] =	vst.idx.msk $0xffff, v25  }
0x9f: {  	v26 =	vor.u32 v3, v18;
	v25 =	vld.idx.msk [tilespmem:v29+s12+$0x0], $0xffff;
	[tilespmem:v30+s16+$0x0] =	vst.idx.msk $0xffff, v21  }
0xa0: {  	v30 =	vor.u32 v9, v16;
	v23 =	vld.idx.msk [tilespmem:v23+s12+$0x0], $0xffff  }
0xa1: {  	v29 =	vadd.s32 v4, v20;
	v21 =	vshll.u32 v22, $0x7  }
0xa2: {  	v33 =	vadd.s32 v10, v27;
	v28 =	vld.idx.msk [tilespmem:v28+s12+$0x0], $0xffff;
	[tilespmem:v31+s16+$0x0] =	vst.idx.msk $0xffff, v24;
	v31 =	vor.u32 v0, v21  }
0xa3: {  	v35 =	vor.u32 v7, v17;
	v34 =	vadd.s32 v2, v22;
	v32 =	vld.idx.msk [tilespmem:v32+s12+$0x0], $0xffff  }
0xa4: {  	v36 =	vadd.s32 v8, v19;
	v24 =	vadd.s32 $0x1, v22;
	[tilespmem:v26+s16+$0x0] =	vst.idx.msk $0xffff, v25  }
0xa5: {  	[tilespmem:v30+s16+$0x0] =	vst.idx.msk $0xffff, v23;
	v23 =	vadd.s32 v1, v24  }
0xa6: {  	v26 =	vor.u32 v5, v18;
	v25 =	vld.idx.msk [tilespmem:v29+s12+$0x0], $0xffff  }
0xa7: {  	[tilespmem:v31+s16+$0x0] =	vst.idx.msk $0xffff, v28;
	v28 =	vadd.s32 v6, v20;
	v31 =	vor.u32 v11, v16;
	v29 =	vld.idx.msk [tilespmem:v33+s12+$0x0], $0xffff  }
0xa8: {  	v62 =	vadd.s32 v12, v27;
	v63 =	vor.u32 v3, v21;
	[tilespmem:v35+s16+$0x0] =	vst.idx.msk $0xffff, v32;
	v61 =	vld.idx.msk [tilespmem:v34+s12+$0x0], $0xffff  }
0xa9: {  	v40 =	vor.u32 v9, v17;
	v39 =	vadd.s32 v4, v22;
	v38 =	vld.idx.msk [tilespmem:v36+s12+$0x0], $0xffff  }
0xaa: {  	v41 =	vadd.s32 v10, v19;
	v34 =	vld.idx.msk [tilespmem:v23+s12+$0x0], $0xffff;
	v23 =	vshll.u32 v24, $0x7  }
0xab: {  	[tilespmem:v26+s16+$0x0] =	vst.idx.msk $0xffff, v25;
	v36 =	vor.u32 v0, v23  }
0xac: {  	v37 =	vadd.s32 v2, v24;
	v30 =	vld.idx.msk [tilespmem:v28+s12+$0x0], $0xffff;
	[tilespmem:v31+s16+$0x0] =	vst.idx.msk $0xffff, v29;
	v31 =	vor.u32 v7, v18  }
0xad: {  	v32 =	vadd.s32 v8, v20;
	[tilespmem:v63+s16+$0x0] =	vst.idx.msk $0xffff, v61;
	v28 =	vor.u32 v13, v16;
	v26 =	vld.idx.msk [tilespmem:v62+s12+$0x0], $0xffff  }
0xae: {  	v27 =	vadd.s32 v14, v27;
	v25 =	vadd.s32 $0x1, v24;
	[tilespmem:v40+s16+$0x0] =	vst.idx.msk $0xffff, v38;
	v33 =	vld.idx.msk [tilespmem:v39+s12+$0x0], $0xffff  }
0xaf: {  	s20 =	simm.s32 $0x3A;
	v35 =	vor.u32 v5, v21;
	v38 =	vadd.s32 v1, v25;
	v29 =	vld.idx.msk [tilespmem:v41+s12+$0x0], $0xffff  }
.LBB2_9:
0xb0: {  	p0 =	sne.s32 s20, $0x1;
	[tilespmem:v36+s16+$0x0] =	vst.idx.msk $0xffff, v34;
	v39 =	vadd.s32 v6, v22;
	v40 =	vor.u32 v11, v17;
	v41 =	vmov v20  }
0xb1: {  	v43 =	vadd.s32 v12, v19;
	v20 =	vmov v22;
	v22 =	vmov v24;
	v42 =	vld.idx.msk [tilespmem:v37+s12+$0x0], $0xffff;
	[tilespmem:v31+s16+$0x0] =	vst.idx.msk $0xffff, v30  }
0xb2: {  	v44 =	vor.u32 v3, v23;
	v24 =	vmov v25;
	v45 =	vld.idx.msk [tilespmem:v32+s12+$0x0], $0xffff;
	[tilespmem:v28+s16+$0x0] =	vst.idx.msk $0xffff, v26  }
0xb3: {  	v47 =	vor.u32 v9, v18;
	v46 =	vadd.s32 v4, v22;
	v48 =	vadd.s32 v10, v41;
	v49 =	vld.idx.msk [tilespmem:v27+s12+$0x0], $0xffff  }
0xb4: {  	v50 =	vor.u32 v15, v16;
	v16 =	vmov v17;
	v27 =	vshll.u32 v25, $0x7;
	v34 =	vld.idx.msk [tilespmem:v38+s12+$0x0], $0xffff;
	[tilespmem:v35+s16+$0x0] =	vst.idx.msk $0xffff, v33  }
.Ltmp4:
0xb5: {  	v17 =	vmov v18;
	v18 =	vmov v21;
	v36 =	vor.u32 v0, v27;
	v30 =	vld.idx.msk [tilespmem:v39+s12+$0x0], $0xffff;
	[tilespmem:v40+s16+$0x0] =	vst.idx.msk $0xffff, v29;
	(pc) =	sbr.rel @p0 .LBB2_9-.Ltmp4, $4  }
0xb6: {  	v21 =	vmovc v23;
	v37 =	vadd.s32 v2, v25;
	v31 =	vor.u32 v7, v18;
	v23 =	vmov v27;
	v26 =	vld.idx.msk [tilespmem:v43+s12+$0x0], $0xffff  }
0xb7: {  	v32 =	vadd.s32 v8, v20;
	v28 =	vor.u32 v13, v16;
	[tilespmem:v44+s16+$0x0] =	vst.idx.msk $0xffff, v42  }
0xb8: {  	v25 =	vadd.s32 $0x1, v25;
	v27 =	vadd.s32 v14, v19;
	v19 =	vmov v41;
	v33 =	vld.idx.msk [tilespmem:v46+s12+$0x0], $0xffff;
	[tilespmem:v47+s16+$0x0] =	vst.idx.msk $0xffff, v45  }
0xb9: {  	s20 =	sadd.s32 $0xFFFFFFFF, s20;
	v38 =	vadd.s32 v1, v25;
	v35 =	vor.u32 v5, v21;
	v29 =	vld.idx.msk [tilespmem:v48+s12+$0x0], $0xffff;
	[tilespmem:v50+s16+$0x0] =	vst.idx.msk $0xffff, v49  }
0xba: {  	_ =	sdelay $0x2  }
0xbb: {  	v39 =	vshll.u32 v25, $0x7  }
0xbc: {  	v38 =	vld.idx.msk [tilespmem:v38+s12+$0x0], $0xffff;
	v40 =	vor.u32 v0, v39  }
0xbd: {  	v41 =	vadd.s32 v2, v25;
	_ =	sdelay $0x2  }
0xbe: {  	[tilespmem:v36+s16+$0x0] =	vst.idx.msk $0xffff, v34  }
0xbf: {  	v55 =	vor.u32 v3, v23;
	v34 =	vld.idx.msk [tilespmem:v37+s12+$0x0], $0xffff;
	[tilespmem:v40+s16+$0x0] =	vst.idx.msk $0xffff, v38  }
0xc0: {  	v56 =	vadd.s32 v4, v24;
	v57 =	vor.u32 v3, v39;
	v38 =	vld.idx.msk [tilespmem:v41+s12+$0x0], $0xffff  }
0xc1: {  	v58 =	vadd.s32 v4, v25;
	_ =	sdelay $0x2  }
0xc2: {  	v59 =	vadd.s32 v6, v22;
	[tilespmem:v55+s16+$0x0] =	vst.idx.msk $0xffff, v34  }
0xc3: {  	v60 =	vor.u32 v5, v23;
	v36 =	vld.idx.msk [tilespmem:v56+s12+$0x0], $0xffff;
	[tilespmem:v57+s16+$0x0] =	vst.idx.msk $0xffff, v38  }
0xc4: {  	v61 =	vadd.s32 v6, v24;
	v62 =	vor.u32 v5, v39;
	v40 =	vld.idx.msk [tilespmem:v58+s12+$0x0], $0xffff  }
0xc5: {  	v42 =	vadd.s32 v6, v25  }
0xc6: {  	[tilespmem:v35+s16+$0x0] =	vst.idx.msk $0xffff, v33  }
0xc7: {  	v63 =	vor.u32 v7, v21;
	v33 =	vld.idx.msk [tilespmem:v59+s12+$0x0], $0xffff  }
0xc8: {  	v45 =	vadd.s32 v8, v22;
	[tilespmem:v60+s16+$0x0] =	vst.idx.msk $0xffff, v36  }
0xc9: {  	v46 =	vor.u32 v7, v23;
	v36 =	vld.idx.msk [tilespmem:v61+s12+$0x0], $0xffff;
	[tilespmem:v62+s16+$0x0] =	vst.idx.msk $0xffff, v40  }
0xca: {  	v47 =	vadd.s32 v8, v24;
	v48 =	vor.u32 v7, v39;
	v40 =	vld.idx.msk [tilespmem:v42+s12+$0x0], $0xffff  }
0xcb: {  	v49 =	vadd.s32 v8, v25;
	[tilespmem:v31+s16+$0x0] =	vst.idx.msk $0xffff, v30  }
0xcc: {  	v50 =	vor.u32 v9, v18;
	v30 =	vld.idx.msk [tilespmem:v32+s12+$0x0], $0xffff;
	[tilespmem:v63+s16+$0x0] =	vst.idx.msk $0xffff, v33  }
0xcd: {  	v51 =	vadd.s32 v10, v20;
	v52 =	vor.u32 v9, v21;
	v33 =	vld.idx.msk [tilespmem:v45+s12+$0x0], $0xffff  }
0xce: {  	v53 =	vadd.s32 v10, v22;
	[tilespmem:v46+s16+$0x0] =	vst.idx.msk $0xffff, v36  }
0xcf: {  	v54 =	vor.u32 v9, v23;
	v36 =	vld.idx.msk [tilespmem:v47+s12+$0x0], $0xffff;
	[tilespmem:v48+s16+$0x0] =	vst.idx.msk $0xffff, v40  }
0xd0: {  	v55 =	vadd.s32 v10, v24;
	v56 =	vor.u32 v9, v39;
	v40 =	vld.idx.msk [tilespmem:v49+s12+$0x0], $0xffff  }
0xd1: {  	[tilespmem:v50+s16+$0x0] =	vst.idx.msk $0xffff, v30;
	v57 =	vadd.s32 v10, v25  }
0xd2: {  	v59 =	vor.u32 v11, v18;
	v31 =	vld.idx.msk [tilespmem:v51+s12+$0x0], $0xffff;
	[tilespmem:v52+s16+$0x0] =	vst.idx.msk $0xffff, v33  }
0xd3: {  	v60 =	vadd.s32 v12, v20;
	v61 =	vor.u32 v11, v21;
	v34 =	vld.idx.msk [tilespmem:v53+s12+$0x0], $0xffff  }
0xd4: {  	v43 =	vor.u32 v11, v17;
	v62 =	vadd.s32 v12, v22;
	[tilespmem:v54+s16+$0x0] =	vst.idx.msk $0xffff, v36  }
0xd5: {  	v63 =	vor.u32 v11, v23;
	v58 =	vadd.s32 v12, v19;
	v37 =	vld.idx.msk [tilespmem:v55+s12+$0x0], $0xffff;
	[tilespmem:v56+s16+$0x0] =	vst.idx.msk $0xffff, v40  }
0xd6: {  	v45 =	vadd.s32 v12, v24;
	v46 =	vor.u32 v11, v39;
	v41 =	vld.idx.msk [tilespmem:v57+s12+$0x0], $0xffff  }
0xd7: {  	[tilespmem:v59+s16+$0x0] =	vst.idx.msk $0xffff, v31;
	v47 =	vadd.s32 v12, v25  }
0xd8: {  	v50 =	vor.u32 v13, v18;
	v32 =	vld.idx.msk [tilespmem:v60+s12+$0x0], $0xffff;
	[tilespmem:v61+s16+$0x0] =	vst.idx.msk $0xffff, v34  }
0xd9: {  	[tilespmem:v43+s16+$0x0] =	vst.idx.msk $0xffff, v29;
	v51 =	vadd.s32 v14, v20;
	v52 =	vor.u32 v13, v21;
	v34 =	vld.idx.msk [tilespmem:v62+s12+$0x0], $0xffff  }
0xda: {  	v53 =	vadd.s32 v14, v22;
	v30 =	vld.idx.msk [tilespmem:v58+s12+$0x0], $0xffff;
	v48 =	vor.u32 v13, v17;
	[tilespmem:v63+s16+$0x0] =	vst.idx.msk $0xffff, v37  }
0xdb: {  	v49 =	vadd.s32 v14, v19;
	v55 =	vor.u32 v13, v23;
	v54 =	vld.idx.msk [tilespmem:v45+s12+$0x0], $0xffff;
	[tilespmem:v46+s16+$0x0] =	vst.idx.msk $0xffff, v41  }
0xdc: {  	[tilespmem:v28+s16+$0x0] =	vst.idx.msk $0xffff, v26;
	v58 =	vor.u32 v13, v39;
	v56 =	vadd.s32 v14, v24;
	v57 =	vld.idx.msk [tilespmem:v47+s12+$0x0], $0xffff  }
0xdd: {  	v16 =	vor.u32 v15, v16;
	v27 =	vld.idx.msk [tilespmem:v27+s12+$0x0], $0xffff;
	v59 =	vadd.s32 v14, v25;
	[tilespmem:v50+s16+$0x0] =	vst.idx.msk $0xffff, v32  }
0xde: {  	v60 =	vor.u32 v15, v18;
	v20 =	vld.idx.msk [tilespmem:v51+s12+$0x0], $0xffff;
	[tilespmem:v52+s16+$0x0] =	vst.idx.msk $0xffff, v34  }
0xdf: {  	v61 =	vor.u32 v15, v21;
	[tilespmem:v48+s16+$0x0] =	vst.idx.msk $0xffff, v30;
	v22 =	vld.idx.msk [tilespmem:v53+s12+$0x0], $0xffff  }
0xe0: {  	v17 =	vor.u32 v15, v17;
	v19 =	vld.idx.msk [tilespmem:v49+s12+$0x0], $0xffff;
	[tilespmem:v55+s16+$0x0] =	vst.idx.msk $0xffff, v54  }
0xe1: {  	v62 =	vor.u32 v15, v23;
	v24 =	vld.idx.msk [tilespmem:v56+s12+$0x0], $0xffff;
	[tilespmem:v58+s16+$0x0] =	vst.idx.msk $0xffff, v57  }
0xe2: {  	s18 =	sadd.s32 $0x1, s18;
	[tilespmem:v16+s16+$0x0] =	vst.idx.msk $0xffff, v27;
	v63 =	vor.u32 v15, v39;
	v16 =	vld.idx.msk [tilespmem:v59+s12+$0x0], $0xffff  }
0xe3: {  	p0 =	sne.s32 s18, $0x64;
	[tilespmem:v60+s16+$0x0] =	vst.idx.msk $0xffff, v20  }
.Ltmp5:
0xe4: {  	s19 =	sshll.u32 s19, $0x12;
	[tilespmem:v61+s16+$0x0] =	vst.idx.msk $0xffff, v22;
	(pc) =	sbr.rel @p0 .LBB2_2-.Ltmp5, $4  }
0xe5: {  	s19 =	sor.u32 s4, s19;
	[tilespmem:v17+s16+$0x0] =	vst.idx.msk $0xffff, v19  }
0xe6: {  	s19 =	sshrl.u32 s19, $0x3;
	[tilespmem:v62+s16+$0x0] =	vst.idx.msk $0xffff, v24  }
0xe7: {  	s19 =	sadd.s32 s5, s19;
	[tilespmem:v63+s16+$0x0] =	vst.idx.msk $0xffff, v16  }
0xe8: {  	[hbm4b:s19+s8] =	stream.strided.scatter [tilespmem:s16], [sflag:$0x2], $0x2000, s9, s8, $0x38;
	[tilespmem:$0xE400] =	vst v63  }
0xe9: {  	s17 =	sadd.s32 $0x1, s17  }
0xea: {  	_ =	swait.ge [sflag:s15], $0x2000;
	p0 =	sne.s32 s17, s7  }
.Ltmp6:
0xeb: {  	[sflag:s15] =	ssyncset.done $0x0;
	(pc) =	sbr.rel @p0 .LBB2_1-.Ltmp6, $4  }
0xec: {  	[sflag:s15] =	ssyncadd.s32 $0xFFFFE000  }
0xed: {  	_ =	swait.ge [sflag:s15], $0x2000  }
0xee: {  	[sflag:s15] =	ssyncset.done $0x0  }
0xef: {  	[sflag:s15] =	ssyncadd.s32 $0xFFFFE000  }
0xf0: {  	_ =	sfence.sel $0x180000  }
0xf1: {  	[bflag:$0x0] =	sbarrier.arrive $0xFFFF  }
0xf2: {  	p0 =	sne.s32 s1, $0x0;
	_ =	strace $0x90000047  }
0xf3: {  	s0 =	sadd.s32 @!p0 $0x100000, s0;
	[bflag:$0x2] =	sbarrier.arrive $0xFFFF  }
0xf4: {  	[sflag:s0] =	ssyncadd.tile.s32 @!p0 $0x1;
	_ =	shalt  }
.Lfunc_end2:
_tile_overlayer_lowered:
.L_overlay_start_2:
0xf5: {  	(tag) =	ssettag $0x2  }
0xf6: {  	s0 =	rddreg [dreg:$0x0];
	s2 =	stileid.u32  }
0xf7: {  	s1 =	rddreg [dreg:$0x1];
	p0 =	sne.s32 s2, $0x0  }
0xf8: {  	s3 =	rddreg [dreg:$0x2];
	[bflag:$0x3] =	sbarrier.arrive $0xFFFF;
	s2 =	simm.s32 @!p0 $0x1C03  }
0xf9: {  	[timem:s3], [sflag:s2] =	dma.local @!p0 [hbm:s0], s1  }
0xfa: {  	s0 =	simm.s32 @!p0 $0x3  }
0xfb: {  	_ =	swait.ge @!p0 [sflag:s0], s1  }
0xfc: {  	s1 =	ssub.s32 @!p0 $0x0, s1;
	[sflag:s0] =	ssyncset.done @!p0 $0x0  }
0xfd: {  	[sflag:s0] =	ssyncadd.s32 @!p0 s1  }
0xfe: {  	[bflag:$0x3] =	sbarrier.arrive $0xFFFF  }
0xff: {  	_ =	shalt  }

</sc_bundles>
